<compile_context>
chip_gen: v7x
topology: tpu7x:2x2x1
jax: 0.10.2.dev20260603
libtpu: 0.0.44.dev20260713+nightly
codegen_flags: <defaults>
</compile_context>

<pallas_src>
import functools

import jax
import jax.numpy as jnp
from jax import lax
from jax.experimental import pallas as pl
from jax.experimental.pallas import tpu as pltpu, tpu_sc as plsc

NC = 2
NS = 16
L = 16



def _feat_body(x_ref, w_ref, al_ref, ar_ref, f_ref, el_ref, er_ref):
    f = jnp.dot(x_ref[...], w_ref[...], preferred_element_type=jnp.float32)
    hw = f.shape[1] // 2
    f_ref[0] = f[:, :hw]
    f_ref[1] = f[:, hw:]
    el_ref[...] = jnp.sum(f * al_ref[...], axis=1, keepdims=True)
    er_ref[...] = jnp.sum(f * ar_ref[...], axis=1, keepdims=True)


def _tc_feat(in_feat, W, attn_l, attn_r):
    n, d = in_feat.shape
    h = W.shape[1]
    blk = 1000
    grid = n // blk
    feat2, el, er = pl.pallas_call(
        _feat_body,
        grid=(grid,),
        in_specs=[
            pl.BlockSpec((blk, d), lambda i: (i, 0)),
            pl.BlockSpec((d, h), lambda i: (0, 0)),
            pl.BlockSpec((1, h), lambda i: (0, 0)),
            pl.BlockSpec((1, h), lambda i: (0, 0)),
        ],
        out_specs=[
            pl.BlockSpec((NC, blk, h // 2), lambda i: (0, i, 0)),
            pl.BlockSpec((blk, 1), lambda i: (i, 0)),
            pl.BlockSpec((blk, 1), lambda i: (i, 0)),
        ],
        out_shape=[
            jax.ShapeDtypeStruct((NC, n, h // 2), jnp.float32),
            jax.ShapeDtypeStruct((n, 1), jnp.float32),
            jax.ShapeDtypeStruct((n, 1), jnp.float32),
        ],
    )(in_feat, W, attn_l.reshape(1, h), attn_r.reshape(1, h))
    return feat2, el.reshape(n), er.reshape(n)



def _sc_edge_pass(src2d, dst2d, feat2, el, er, n, e_total):
    gg = src2d.shape[1]
    hw = feat2.shape[2]
    groups_per_tile = src2d.shape[0] // NS
    gpb = 8
    blocks_per_tile = groups_per_tile // gpb
    nrows_tile = n // NS
    zchunk = 125

    mesh = plsc.VectorSubcoreMesh(core_axis_name="c", subcore_axis_name="s")

    @functools.partial(
        pl.kernel,
        mesh=mesh,
        compiler_params=pltpu.CompilerParams(use_tc_tiling_on_sc=False,
                                              needs_layout_passes=False),
        out_type=[
            jax.ShapeDtypeStruct((NC, n, hw), jnp.float32),
            jax.ShapeDtypeStruct((NS, n), jnp.float32),
        ],
        scratch_types=[
            pltpu.VMEM((n,), jnp.float32),
            pltpu.VMEM((n,), jnp.float32),
            pltpu.VMEM((n,), jnp.float32),
            pltpu.VMEM((gpb, gg), jnp.int32),
            pltpu.VMEM((gpb, gg), jnp.int32),
            pltpu.VMEM((gpb, gg), jnp.float32),
            pltpu.VMEM((gg, 64), jnp.float32),
            pltpu.VMEM((gg, 64), jnp.float32),
            pltpu.VMEM_SHARED((10000, 64), jnp.float32),
            pltpu.VMEM_SHARED((10000, 64), jnp.float32),
            pltpu.SemaphoreType.DMA,
            pltpu.SemaphoreType.DMA,
        ],
    )
    def edge_kernel(src_r, dst_r, feat_r, el_r, er_r, h_out, den_out,
                    el_v, er_v, den_v, src_v, dst_v, ex_v, rows0, rows1,
                    feat_sh, h_sh, gs0, gs1):
        cid = lax.axis_index("c")
        sid = lax.axis_index("s")

        def zden(i, c):
            den_v[pl.ds(i * L, L)] = jnp.zeros((L,), jnp.float32)
            return c
        lax.fori_loop(0, n // L, zden, 0)

        def zrow(i, c):
            for k in range(hw // L):
                rows0[i, pl.ds(k * L, L)] = jnp.zeros((L,), jnp.float32)
            return c
        lax.fori_loop(0, zchunk, zrow, 0)
        nfull, rem = divmod(nrows_tile, zchunk)
        for k in range(nfull):
            pltpu.sync_copy(rows0.at[pl.ds(0, zchunk)],
                            h_sh.at[pl.ds(sid * nrows_tile + k * zchunk, zchunk)])
        if rem:
            pltpu.sync_copy(rows0.at[pl.ds(0, rem)],
                            h_sh.at[pl.ds(sid * nrows_tile + nfull * zchunk, rem)])

        pltpu.sync_copy(feat_r.at[cid, pl.ds(sid * nrows_tile, nrows_tile)],
                        feat_sh.at[pl.ds(sid * nrows_tile, nrows_tile)])
        pltpu.sync_copy(el_r, el_v)
        pltpu.sync_copy(er_r, er_v)

        plsc.subcore_barrier()

        group_base = sid * groups_per_tile
        vec_per_group = gg // L

        def scale_buf(rows_v, g):
            @plsc.parallel_loop(0, gg, unroll=4)
            def scale(r):
                sc = plsc.load_gather(
                    ex_v, [jnp.full((L,), g, jnp.int32), jnp.full((L,), r, jnp.int32)])
                for k in range(hw // L):
                    rows_v[r, pl.ds(k * L, L)] = rows_v[r, pl.ds(k * L, L)] * sc

        def block(bb, c):
            g0_row = group_base + bb * gpb
            pltpu.sync_copy(src_r.at[pl.ds(g0_row, gpb)], src_v)
            pltpu.sync_copy(dst_r.at[pl.ds(g0_row, gpb)], dst_v)

            @plsc.parallel_loop(0, gpb * vec_per_group, unroll=2)
            def cex(i):
                g = i // vec_per_group
                c16 = i % vec_per_group
                s = src_v[g, pl.ds(c16 * L, L)]
                d = dst_v[g, pl.ds(c16 * L, L)]
                ev = plsc.load_gather(el_v, [s]) + plsc.load_gather(er_v, [d])
                ev = jnp.where(ev >= 0, ev, ev * 0.2)
                ex = jnp.exp(ev)
                eid = ((g0_row + g) * gg + c16 * L
                       + lax.broadcasted_iota(jnp.int32, (L,), 0))
                ex = jnp.where(eid < e_total, ex, 0.0)
                ex_v[g, pl.ds(c16 * L, L)] = ex
                plsc.addupdate_scatter(den_v, [d], ex)

            pltpu.async_copy(feat_sh.at[src_v.at[0]], rows0, gs0)
            pltpu.async_copy(feat_sh.at[src_v.at[1]], rows1, gs1)

            def pair(jj, cc):
                g0 = jj * 2
                g1 = g0 + 1
                pltpu.make_async_copy(feat_sh.at[src_v.at[g0]], rows0, gs0).wait()
                scale_buf(rows0, g0)
                pltpu.sync_copy(rows0, h_sh.at[dst_v.at[g0]], add=True)

                @pl.when(jj < gpb // 2 - 1)
                def _prefetch0():
                    pltpu.async_copy(feat_sh.at[src_v.at[g0 + 2]], rows0, gs0)

                pltpu.make_async_copy(feat_sh.at[src_v.at[g1]], rows1, gs1).wait()
                scale_buf(rows1, g1)
                pltpu.sync_copy(rows1, h_sh.at[dst_v.at[g1]], add=True)

                @pl.when(jj < gpb // 2 - 1)
                def _prefetch1():
                    pltpu.async_copy(feat_sh.at[src_v.at[g1 + 2]], rows1, gs1)
                return cc
            lax.fori_loop(0, gpb // 2, pair, 0)
            return c
        lax.fori_loop(0, blocks_per_tile, block, 0)

        plsc.subcore_barrier()

        @pl.when(cid == 0)
        def _den_out():
            pltpu.sync_copy(den_v, den_out.at[sid])

        zc2 = nrows_tile // 5
        for k in range(5):
            sl = pl.ds(sid * nrows_tile + k * zc2, zc2)
            pltpu.sync_copy(h_sh.at[sl], h_out.at[cid, sl])

    return edge_kernel(src2d, dst2d, feat2, el, er)



def _final_body(h_ref, den_ref, bias_ref, w2_ref, b2_ref, out_ref):
    ht = jnp.concatenate([h_ref[0], h_ref[1]], axis=1)
    dt = jnp.sum(den_ref[...], axis=0)[:, None]
    hh = ht / jnp.maximum(dt, 1e-9)
    hh = jnp.maximum(hh + bias_ref[...], 0.0)
    logits = jnp.dot(hh, w2_ref[...], preferred_element_type=jnp.float32) + b2_ref[...]
    out_ref[...] = jax.nn.sigmoid(logits)


def _tc_final(h_part, den_part, bias, W2, b2):
    n = h_part.shape[1]
    h = W2.shape[0]
    c = W2.shape[1]
    return pl.pallas_call(
        _final_body,
        out_shape=jax.ShapeDtypeStruct((n, c), jnp.float32),
    )(h_part, den_part, bias.reshape(1, h), W2, b2.reshape(1, c))



def kernel(edge_index, in_feat, W, attn_l, attn_r, bias, W2, b2):
    n, _ = in_feat.shape
    e_total = edge_index.shape[1]

    epad = -(-e_total // (NS * 1024)) * (NS * 1024)
    src = edge_index[0].astype(jnp.int32)
    dst = edge_index[1].astype(jnp.int32)
    src = jnp.pad(src, (0, epad - e_total)).reshape(epad // 128, 128)
    dst = jnp.pad(dst, (0, epad - e_total)).reshape(epad // 128, 128)

    feat2, el, er = _tc_feat(in_feat, W, attn_l, attn_r)
    h_part, den_part = _sc_edge_pass(src, dst, feat2, el, er, n, e_total)
    return _tc_final(h_part, den_part, bias, W2, b2)

# --- scband reference (transcript-rebuilt; emitter-appended) ---
"""Pipeline reference for scband-gat-53266184405050 (READ-ONLY COPY).

The authoritative reference and input builder live on the scoring server;
editing this copy changes nothing except your own understanding.
"""

import jax, jax.numpy as jnp
import numpy as np

N = 10000
E = 320000
D_IN = 128
H_FEATS = 128
N_CLASSES = 16


def setup_inputs(seed: int = 0):
    key = jax.random.key(seed)
    ks = jax.random.split(key, 8)
    edge_index = jax.random.randint(ks[0], (2, E), 0, N)
    in_feat = jax.random.normal(ks[1], (N, D_IN), dtype=jnp.float32)
    W = jax.random.normal(ks[2], (D_IN, H_FEATS), dtype=jnp.float32) * (1.0 / np.sqrt(D_IN))
    attn_l = jax.random.normal(ks[3], (H_FEATS,), dtype=jnp.float32) * 0.1
    attn_r = jax.random.normal(ks[4], (H_FEATS,), dtype=jnp.float32) * 0.1
    bias = jnp.zeros((H_FEATS,), dtype=jnp.float32)
    W2 = jax.random.normal(ks[5], (H_FEATS, N_CLASSES), dtype=jnp.float32) * (1.0 / np.sqrt(H_FEATS))
    b2 = jnp.zeros((N_CLASSES,), dtype=jnp.float32)
    return {"edge_index": edge_index, "in_feat": in_feat, "W": W, "attn_l": attn_l,
            "attn_r": attn_r, "bias": bias, "W2": W2, "b2": b2}


def reference(edge_index, in_feat, W, attn_l, attn_r, bias, W2, b2):
    # GATConv (single head, DGL-style) -> squeeze -> relu -> Linear -> sigmoid
    src = edge_index[0]
    dst = edge_index[1]
    feat = in_feat @ W                                  # [N, H]
    el = jnp.sum(feat * attn_l, axis=-1)                # [N]
    er = jnp.sum(feat * attn_r, axis=-1)                # [N]
    e = jax.nn.leaky_relu(el[src] + er[dst], negative_slope=0.2)  # [E]
    # edge-softmax normalized per destination node
    emax = jax.ops.segment_max(e, dst, num_segments=N)
    emax = jnp.where(jnp.isfinite(emax), emax, 0.0)
    ex = jnp.exp(e - emax[dst])
    denom = jax.ops.segment_sum(ex, dst, num_segments=N)
    alpha = ex / jnp.maximum(denom[dst], 1e-9)          # [E]
    msg = feat[src] * alpha[:, None]                    # [E, H] gather + weight
    h = jax.ops.segment_sum(msg, dst, num_segments=N) + bias  # scatter-add
    h = jax.nn.relu(h)                                  # squeeze(heads=1) + relu
    logits = h @ W2 + b2
    return jax.nn.sigmoid(logits)

if __name__ == "__main__":
    import jax
    _d = setup_inputs()
    print(jax.jit(kernel)(*tuple(_d.values())))

</pallas_src>

<mosaic_0001>
#map = affine_map<(d0, d1) -> (0, 0)>
#map1 = affine_map<(d0, d1) -> (0, 0, 0)>
#map2 = affine_map<(d0, d1) -> (0)>
module attributes {stable_mosaic.version = 14 : i64} {
  func.func @edge_kernel(%arg0: i32, %arg1: i32, %arg2: memref<2560x128xi32, #tpu.memory_space<hbm>>, %arg3: memref<2560x128xi32, #tpu.memory_space<hbm>>, %arg4: memref<2x10000x64xf32, #tpu.memory_space<hbm>>, %arg5: memref<10000xf32, #tpu.memory_space<hbm>>, %arg6: memref<10000xf32, #tpu.memory_space<hbm>>, %arg7: memref<2x10000x64xf32, #tpu.memory_space<hbm>>, %arg8: memref<16x10000xf32, #tpu.memory_space<hbm>>, %arg9: memref<10000xf32, #tpu.memory_space<vmem>>, %arg10: memref<10000xf32, #tpu.memory_space<vmem>>, %arg11: memref<10000xf32, #tpu.memory_space<vmem>>, %arg12: memref<8x128xi32, #tpu.memory_space<vmem>>, %arg13: memref<8x128xi32, #tpu.memory_space<vmem>>, %arg14: memref<8x128xf32, #tpu.memory_space<vmem>>, %arg15: memref<128x64xf32, #tpu.memory_space<vmem>>, %arg16: memref<128x64xf32, #tpu.memory_space<vmem>>, %arg17: memref<10000x64xf32, #tpu.memory_space<vmem_shared>>, %arg18: memref<10000x64xf32, #tpu.memory_space<vmem_shared>>, %arg19: memref<!tpu.dma_semaphore, #tpu.memory_space<semaphore_mem>>, %arg20: memref<!tpu.dma_semaphore, #tpu.memory_space<semaphore_mem>>) attributes {dimension_semantics = [#tpu.dimension_semantics<core_parallel>, #tpu.dimension_semantics<subcore_parallel>], iteration_bounds = array<i64: 2, 16>, scalar_prefetch = 0 : i64, scratch_operands = 12 : i64, tpu.core_type = #tpu.core_type<sc_vector_subcore>, window_params = [{transform_indices = #map}, {transform_indices = #map}, {transform_indices = #map1}, {transform_indices = #map2}, {transform_indices = #map2}, {transform_indices = #map1}, {transform_indices = #map}]} {
    %scan3A = arith.constant 0 : i32
    %scan3A_0 = arith.constant 0 : i32
    %scan3A_1 = arith.constant 625 : i32
    %scan3A_2 = arith.addi %scan3A_0, %scan3A_1 : i32
    %scan3A_3 = arith.constant 1 : i32
    scf.for %scan3A_64 = %scan3A_0 to %scan3A_2 step %scan3A_3  : i32 {
      %broadcast_in_dim3A = arith.constant 0.000000e+00 : f32
      %broadcast_in_dim3A_65 = vector.broadcast %broadcast_in_dim3A : f32 to vector<16xf32>
      %mul3A_66 = arith.constant 16 : i32
      %mul3A_67 = arith.muli %scan3A_64, %mul3A_66 : i32
      %swap3A = arith.index_cast %mul3A_67 : i32 to index
      %swap3A_68 = tpu.vector_load %arg11[%swap3A] {strides = array<i32>} : memref<10000xf32, #tpu.memory_space<vmem>>, vector<16xf32>,
      tpu.vector_store %arg11[%swap3A], %broadcast_in_dim3A_65 {strides = array<i32>} : memref<10000xf32, #tpu.memory_space<vmem>>, vector<16xf32>,
    }
    %scan3A_4 = arith.constant 625 : i32
    %scan3A_5 = arith.constant 0 : i32
    %scan3A_6 = arith.constant 0 : i32
    %scan3A_7 = arith.constant 125 : i32
    %scan3A_8 = arith.addi %scan3A_6, %scan3A_7 : i32
    %scan3A_9 = arith.constant 1 : i32
    scf.for %scan3A_64 = %scan3A_6 to %scan3A_8 step %scan3A_9  : i32 {
      %broadcast_in_dim3A = arith.constant 0.000000e+00 : f32
      %broadcast_in_dim3A_65 = vector.broadcast %broadcast_in_dim3A : f32 to vector<16xf32>
      %swap3A = arith.index_cast %scan3A_64 : i32 to index
      %swap3A_66 = arith.constant 0 : index
      %swap3A_67 = tpu.vector_load %arg15[%swap3A, %swap3A_66] {strides = array<i32>} : memref<128x64xf32, #tpu.memory_space<vmem>>, vector<16xf32>,
      tpu.vector_store %arg15[%swap3A, %swap3A_66], %broadcast_in_dim3A_65 {strides = array<i32>} : memref<128x64xf32, #tpu.memory_space<vmem>>, vector<16xf32>,
      %broadcast_in_dim3A_68 = arith.constant 0.000000e+00 : f32
      %broadcast_in_dim3A_69 = vector.broadcast %broadcast_in_dim3A_68 : f32 to vector<16xf32>
      %swap3A_70 = arith.index_cast %scan3A_64 : i32 to index
      %swap3A_71 = arith.constant 16 : index
      %swap3A_72 = tpu.vector_load %arg15[%swap3A_70, %swap3A_71] {strides = array<i32>} : memref<128x64xf32, #tpu.memory_space<vmem>>, vector<16xf32>,
      tpu.vector_store %arg15[%swap3A_70, %swap3A_71], %broadcast_in_dim3A_69 {strides = array<i32>} : memref<128x64xf32, #tpu.memory_space<vmem>>, vector<16xf32>,
      %broadcast_in_dim3A_73 = arith.constant 0.000000e+00 : f32
      %broadcast_in_dim3A_74 = vector.broadcast %broadcast_in_dim3A_73 : f32 to vector<16xf32>
      %swap3A_75 = arith.index_cast %scan3A_64 : i32 to index
      %swap3A_76 = arith.constant 32 : index
      %swap3A_77 = tpu.vector_load %arg15[%swap3A_75, %swap3A_76] {strides = array<i32>} : memref<128x64xf32, #tpu.memory_space<vmem>>, vector<16xf32>,
      tpu.vector_store %arg15[%swap3A_75, %swap3A_76], %broadcast_in_dim3A_74 {strides = array<i32>} : memref<128x64xf32, #tpu.memory_space<vmem>>, vector<16xf32>,
      %broadcast_in_dim3A_78 = arith.constant 0.000000e+00 : f32
      %broadcast_in_dim3A_79 = vector.broadcast %broadcast_in_dim3A_78 : f32 to vector<16xf32>
      %swap3A_80 = arith.index_cast %scan3A_64 : i32 to index
      %swap3A_81 = arith.constant 48 : index
      %swap3A_82 = tpu.vector_load %arg15[%swap3A_80, %swap3A_81] {strides = array<i32>} : memref<128x64xf32, #tpu.memory_space<vmem>>, vector<16xf32>,
      tpu.vector_store %arg15[%swap3A_80, %swap3A_81], %broadcast_in_dim3A_79 {strides = array<i32>} : memref<128x64xf32, #tpu.memory_space<vmem>>, vector<16xf32>,
    }
    %scan3A_10 = arith.constant 125 : i32
    %mul3A = arith.constant 625 : i32
    %mul3A_11 = arith.muli %arg1, %mul3A : i32
    %add3A = arith.constant 0 : i32
    %add3A_12 = arith.addi %mul3A_11, %add3A : i32
    "tpu.region"() ({
      %run_scoped3A = tpu.sem_alloc : memref<!tpu.dma_semaphore, #tpu.memory_space<semaphore_mem>>
      %dma_start3A = arith.constant 0 : i32
      %dma_start3A_64 = arith.constant 0 : i32
      %dma_start3A_65 = tpu.memref_slice %arg15[%dma_start3A, %dma_start3A_64] : memref<128x64xf32, #tpu.memory_space<vmem>> -> memref<125x64xf32, #tpu.memory_space<vmem>>
      %dma_start3A_66 = arith.constant 0 : i32
      %dma_start3A_67 = tpu.memref_slice %arg18[%add3A_12, %dma_start3A_66] : memref<10000x64xf32, #tpu.memory_space<vmem_shared>> -> memref<125x64xf32, #tpu.memory_space<vmem_shared>>
      %dma_start3A_68 = arith.constant 0 : i32
      %dma_start3A_69 = tpu.memref_slice %arg18[%add3A_12, %dma_start3A_68] : memref<10000x64xf32, #tpu.memory_space<vmem_shared>> -> memref<125x64xf32, #tpu.memory_space<vmem_shared>>
      %dma_start3A_70 = arith.constant 0 : i32
      %dma_start3A_71 = arith.constant 0 : i32
      %dma_start3A_72 = tpu.memref_slice %arg15[%dma_start3A_70, %dma_start3A_71] : memref<128x64xf32, #tpu.memory_space<vmem>> -> memref<125x64xf32, #tpu.memory_space<vmem>>
      tpu.enqueue_dma source(%dma_start3A_72 : memref<125x64xf32, #tpu.memory_space<vmem>>) target(%dma_start3A_69 : memref<125x64xf32, #tpu.memory_space<vmem_shared>>) target_semaphore(%run_scoped3A : memref<!tpu.dma_semaphore, #tpu.memory_space<semaphore_mem>>)
      %dma_wait3A = arith.constant 0 : i32
      %dma_wait3A_73 = arith.constant 0 : i32
      %dma_wait3A_74 = tpu.memref_slice %arg15[%dma_wait3A, %dma_wait3A_73] : memref<128x64xf32, #tpu.memory_space<vmem>> -> memref<125x64xf32, #tpu.memory_space<vmem>>
      %dma_wait3A_75 = arith.constant 0 : i32
      %dma_wait3A_76 = tpu.memref_slice %arg18[%add3A_12, %dma_wait3A_75] : memref<10000x64xf32, #tpu.memory_space<vmem_shared>> -> memref<125x64xf32, #tpu.memory_space<vmem_shared>>
      %dma_wait3A_77 = arith.constant 0 : i32
      %dma_wait3A_78 = tpu.memref_slice %arg18[%add3A_12, %dma_wait3A_77] : memref<10000x64xf32, #tpu.memory_space<vmem_shared>> -> memref<125x64xf32, #tpu.memory_space<vmem_shared>>
      %dma_wait3A_79 = arith.constant 0 : i32
      %dma_wait3A_80 = arith.constant 0 : i32
      %dma_wait3A_81 = tpu.memref_slice %arg15[%dma_wait3A_79, %dma_wait3A_80] : memref<128x64xf32, #tpu.memory_space<vmem>> -> memref<125x64xf32, #tpu.memory_space<vmem>>
      tpu.wait_dma2 semaphore(%run_scoped3A : memref<!tpu.dma_semaphore, #tpu.memory_space<semaphore_mem>>) src(%dma_wait3A_81 : memref<125x64xf32, #tpu.memory_space<vmem>>) dst(%dma_wait3A_78 : memref<125x64xf32, #tpu.memory_space<vmem_shared>>)
      tpu.yield
    }) : () -> ()
    %mul3A_13 = arith.constant 625 : i32
    %mul3A_14 = arith.muli %arg1, %mul3A_13 : i32
    %add3A_15 = arith.constant 125 : i32
    %add3A_16 = arith.addi %mul3A_14, %add3A_15 : i32
    "tpu.region"() ({
      %run_scoped3A = tpu.sem_alloc : memref<!tpu.dma_semaphore, #tpu.memory_space<semaphore_mem>>
      %dma_start3A = arith.constant 0 : i32
      %dma_start3A_64 = arith.constant 0 : i32
      %dma_start3A_65 = tpu.memref_slice %arg15[%dma_start3A, %dma_start3A_64] : memref<128x64xf32, #tpu.memory_space<vmem>> -> memref<125x64xf32, #tpu.memory_space<vmem>>
      %dma_start3A_66 = arith.constant 0 : i32
      %dma_start3A_67 = tpu.memref_slice %arg18[%add3A_16, %dma_start3A_66] : memref<10000x64xf32, #tpu.memory_space<vmem_shared>> -> memref<125x64xf32, #tpu.memory_space<vmem_shared>>
      %dma_start3A_68 = arith.constant 0 : i32
      %dma_start3A_69 = tpu.memref_slice %arg18[%add3A_16, %dma_start3A_68] : memref<10000x64xf32, #tpu.memory_space<vmem_shared>> -> memref<125x64xf32, #tpu.memory_space<vmem_shared>>
      %dma_start3A_70 = arith.constant 0 : i32
      %dma_start3A_71 = arith.constant 0 : i32
      %dma_start3A_72 = tpu.memref_slice %arg15[%dma_start3A_70, %dma_start3A_71] : memref<128x64xf32, #tpu.memory_space<vmem>> -> memref<125x64xf32, #tpu.memory_space<vmem>>
      tpu.enqueue_dma source(%dma_start3A_72 : memref<125x64xf32, #tpu.memory_space<vmem>>) target(%dma_start3A_69 : memref<125x64xf32, #tpu.memory_space<vmem_shared>>) target_semaphore(%run_scoped3A : memref<!tpu.dma_semaphore, #tpu.memory_space<semaphore_mem>>)
      %dma_wait3A = arith.constant 0 : i32
      %dma_wait3A_73 = arith.constant 0 : i32
      %dma_wait3A_74 = tpu.memref_slice %arg15[%dma_wait3A, %dma_wait3A_73] : memref<128x64xf32, #tpu.memory_space<vmem>> -> memref<125x64xf32, #tpu.memory_space<vmem>>
      %dma_wait3A_75 = arith.constant 0 : i32
      %dma_wait3A_76 = tpu.memref_slice %arg18[%add3A_16, %dma_wait3A_75] : memref<10000x64xf32, #tpu.memory_space<vmem_shared>> -> memref<125x64xf32, #tpu.memory_space<vmem_shared>>
      %dma_wait3A_77 = arith.constant 0 : i32
      %dma_wait3A_78 = tpu.memref_slice %arg18[%add3A_16, %dma_wait3A_77] : memref<10000x64xf32, #tpu.memory_space<vmem_shared>> -> memref<125x64xf32, #tpu.memory_space<vmem_shared>>
      %dma_wait3A_79 = arith.constant 0 : i32
      %dma_wait3A_80 = arith.constant 0 : i32
      %dma_wait3A_81 = tpu.memref_slice %arg15[%dma_wait3A_79, %dma_wait3A_80] : memref<128x64xf32, #tpu.memory_space<vmem>> -> memref<125x64xf32, #tpu.memory_space<vmem>>
      tpu.wait_dma2 semaphore(%run_scoped3A : memref<!tpu.dma_semaphore, #tpu.memory_space<semaphore_mem>>) src(%dma_wait3A_81 : memref<125x64xf32, #tpu.memory_space<vmem>>) dst(%dma_wait3A_78 : memref<125x64xf32, #tpu.memory_space<vmem_shared>>)
      tpu.yield
    }) : () -> ()
    %mul3A_17 = arith.constant 625 : i32
    %mul3A_18 = arith.muli %arg1, %mul3A_17 : i32
    %add3A_19 = arith.constant 250 : i32
    %add3A_20 = arith.addi %mul3A_18, %add3A_19 : i32
    "tpu.region"() ({
      %run_scoped3A = tpu.sem_alloc : memref<!tpu.dma_semaphore, #tpu.memory_space<semaphore_mem>>
      %dma_start3A = arith.constant 0 : i32
      %dma_start3A_64 = arith.constant 0 : i32
      %dma_start3A_65 = tpu.memref_slice %arg15[%dma_start3A, %dma_start3A_64] : memref<128x64xf32, #tpu.memory_space<vmem>> -> memref<125x64xf32, #tpu.memory_space<vmem>>
      %dma_start3A_66 = arith.constant 0 : i32
      %dma_start3A_67 = tpu.memref_slice %arg18[%add3A_20, %dma_start3A_66] : memref<10000x64xf32, #tpu.memory_space<vmem_shared>> -> memref<125x64xf32, #tpu.memory_space<vmem_shared>>
      %dma_start3A_68 = arith.constant 0 : i32
      %dma_start3A_69 = tpu.memref_slice %arg18[%add3A_20, %dma_start3A_68] : memref<10000x64xf32, #tpu.memory_space<vmem_shared>> -> memref<125x64xf32, #tpu.memory_space<vmem_shared>>
      %dma_start3A_70 = arith.constant 0 : i32
      %dma_start3A_71 = arith.constant 0 : i32
      %dma_start3A_72 = tpu.memref_slice %arg15[%dma_start3A_70, %dma_start3A_71] : memref<128x64xf32, #tpu.memory_space<vmem>> -> memref<125x64xf32, #tpu.memory_space<vmem>>
      tpu.enqueue_dma source(%dma_start3A_72 : memref<125x64xf32, #tpu.memory_space<vmem>>) target(%dma_start3A_69 : memref<125x64xf32, #tpu.memory_space<vmem_shared>>) target_semaphore(%run_scoped3A : memref<!tpu.dma_semaphore, #tpu.memory_space<semaphore_mem>>)
      %dma_wait3A = arith.constant 0 : i32
      %dma_wait3A_73 = arith.constant 0 : i32
      %dma_wait3A_74 = tpu.memref_slice %arg15[%dma_wait3A, %dma_wait3A_73] : memref<128x64xf32, #tpu.memory_space<vmem>> -> memref<125x64xf32, #tpu.memory_space<vmem>>
      %dma_wait3A_75 = arith.constant 0 : i32
      %dma_wait3A_76 = tpu.memref_slice %arg18[%add3A_20, %dma_wait3A_75] : memref<10000x64xf32, #tpu.memory_space<vmem_shared>> -> memref<125x64xf32, #tpu.memory_space<vmem_shared>>
      %dma_wait3A_77 = arith.constant 0 : i32
      %dma_wait3A_78 = tpu.memref_slice %arg18[%add3A_20, %dma_wait3A_77] : memref<10000x64xf32, #tpu.memory_space<vmem_shared>> -> memref<125x64xf32, #tpu.memory_space<vmem_shared>>
      %dma_wait3A_79 = arith.constant 0 : i32
      %dma_wait3A_80 = arith.constant 0 : i32
      %dma_wait3A_81 = tpu.memref_slice %arg15[%dma_wait3A_79, %dma_wait3A_80] : memref<128x64xf32, #tpu.memory_space<vmem>> -> memref<125x64xf32, #tpu.memory_space<vmem>>
      tpu.wait_dma2 semaphore(%run_scoped3A : memref<!tpu.dma_semaphore, #tpu.memory_space<semaphore_mem>>) src(%dma_wait3A_81 : memref<125x64xf32, #tpu.memory_space<vmem>>) dst(%dma_wait3A_78 : memref<125x64xf32, #tpu.memory_space<vmem_shared>>)
      tpu.yield
    }) : () -> ()
    %mul3A_21 = arith.constant 625 : i32
    %mul3A_22 = arith.muli %arg1, %mul3A_21 : i32
    %add3A_23 = arith.constant 375 : i32
    %add3A_24 = arith.addi %mul3A_22, %add3A_23 : i32
    "tpu.region"() ({
      %run_scoped3A = tpu.sem_alloc : memref<!tpu.dma_semaphore, #tpu.memory_space<semaphore_mem>>
      %dma_start3A = arith.constant 0 : i32
      %dma_start3A_64 = arith.constant 0 : i32
      %dma_start3A_65 = tpu.memref_slice %arg15[%dma_start3A, %dma_start3A_64] : memref<128x64xf32, #tpu.memory_space<vmem>> -> memref<125x64xf32, #tpu.memory_space<vmem>>
      %dma_start3A_66 = arith.constant 0 : i32
      %dma_start3A_67 = tpu.memref_slice %arg18[%add3A_24, %dma_start3A_66] : memref<10000x64xf32, #tpu.memory_space<vmem_shared>> -> memref<125x64xf32, #tpu.memory_space<vmem_shared>>
      %dma_start3A_68 = arith.constant 0 : i32
      %dma_start3A_69 = tpu.memref_slice %arg18[%add3A_24, %dma_start3A_68] : memref<10000x64xf32, #tpu.memory_space<vmem_shared>> -> memref<125x64xf32, #tpu.memory_space<vmem_shared>>
      %dma_start3A_70 = arith.constant 0 : i32
      %dma_start3A_71 = arith.constant 0 : i32
      %dma_start3A_72 = tpu.memref_slice %arg15[%dma_start3A_70, %dma_start3A_71] : memref<128x64xf32, #tpu.memory_space<vmem>> -> memref<125x64xf32, #tpu.memory_space<vmem>>
      tpu.enqueue_dma source(%dma_start3A_72 : memref<125x64xf32, #tpu.memory_space<vmem>>) target(%dma_start3A_69 : memref<125x64xf32, #tpu.memory_space<vmem_shared>>) target_semaphore(%run_scoped3A : memref<!tpu.dma_semaphore, #tpu.memory_space<semaphore_mem>>)
      %dma_wait3A = arith.constant 0 : i32
      %dma_wait3A_73 = arith.constant 0 : i32
      %dma_wait3A_74 = tpu.memref_slice %arg15[%dma_wait3A, %dma_wait3A_73] : memref<128x64xf32, #tpu.memory_space<vmem>> -> memref<125x64xf32, #tpu.memory_space<vmem>>
      %dma_wait3A_75 = arith.constant 0 : i32
      %dma_wait3A_76 = tpu.memref_slice %arg18[%add3A_24, %dma_wait3A_75] : memref<10000x64xf32, #tpu.memory_space<vmem_shared>> -> memref<125x64xf32, #tpu.memory_space<vmem_shared>>
      %dma_wait3A_77 = arith.constant 0 : i32
      %dma_wait3A_78 = tpu.memref_slice %arg18[%add3A_24, %dma_wait3A_77] : memref<10000x64xf32, #tpu.memory_space<vmem_shared>> -> memref<125x64xf32, #tpu.memory_space<vmem_shared>>
      %dma_wait3A_79 = arith.constant 0 : i32
      %dma_wait3A_80 = arith.constant 0 : i32
      %dma_wait3A_81 = tpu.memref_slice %arg15[%dma_wait3A_79, %dma_wait3A_80] : memref<128x64xf32, #tpu.memory_space<vmem>> -> memref<125x64xf32, #tpu.memory_space<vmem>>
      tpu.wait_dma2 semaphore(%run_scoped3A : memref<!tpu.dma_semaphore, #tpu.memory_space<semaphore_mem>>) src(%dma_wait3A_81 : memref<125x64xf32, #tpu.memory_space<vmem>>) dst(%dma_wait3A_78 : memref<125x64xf32, #tpu.memory_space<vmem_shared>>)
      tpu.yield
    }) : () -> ()
    %mul3A_25 = arith.constant 625 : i32
    %mul3A_26 = arith.muli %arg1, %mul3A_25 : i32
    %add3A_27 = arith.constant 500 : i32
    %add3A_28 = arith.addi %mul3A_26, %add3A_27 : i32
    "tpu.region"() ({
      %run_scoped3A = tpu.sem_alloc : memref<!tpu.dma_semaphore, #tpu.memory_space<semaphore_mem>>
      %dma_start3A = arith.constant 0 : i32
      %dma_start3A_64 = arith.constant 0 : i32
      %dma_start3A_65 = tpu.memref_slice %arg15[%dma_start3A, %dma_start3A_64] : memref<128x64xf32, #tpu.memory_space<vmem>> -> memref<125x64xf32, #tpu.memory_space<vmem>>
      %dma_start3A_66 = arith.constant 0 : i32
      %dma_start3A_67 = tpu.memref_slice %arg18[%add3A_28, %dma_start3A_66] : memref<10000x64xf32, #tpu.memory_space<vmem_shared>> -> memref<125x64xf32, #tpu.memory_space<vmem_shared>>
      %dma_start3A_68 = arith.constant 0 : i32
      %dma_start3A_69 = tpu.memref_slice %arg18[%add3A_28, %dma_start3A_68] : memref<10000x64xf32, #tpu.memory_space<vmem_shared>> -> memref<125x64xf32, #tpu.memory_space<vmem_shared>>
      %dma_start3A_70 = arith.constant 0 : i32
      %dma_start3A_71 = arith.constant 0 : i32
      %dma_start3A_72 = tpu.memref_slice %arg15[%dma_start3A_70, %dma_start3A_71] : memref<128x64xf32, #tpu.memory_space<vmem>> -> memref<125x64xf32, #tpu.memory_space<vmem>>
      tpu.enqueue_dma source(%dma_start3A_72 : memref<125x64xf32, #tpu.memory_space<vmem>>) target(%dma_start3A_69 : memref<125x64xf32, #tpu.memory_space<vmem_shared>>) target_semaphore(%run_scoped3A : memref<!tpu.dma_semaphore, #tpu.memory_space<semaphore_mem>>)
      %dma_wait3A = arith.constant 0 : i32
      %dma_wait3A_73 = arith.constant 0 : i32
      %dma_wait3A_74 = tpu.memref_slice %arg15[%dma_wait3A, %dma_wait3A_73] : memref<128x64xf32, #tpu.memory_space<vmem>> -> memref<125x64xf32, #tpu.memory_space<vmem>>
      %dma_wait3A_75 = arith.constant 0 : i32
      %dma_wait3A_76 = tpu.memref_slice %arg18[%add3A_28, %dma_wait3A_75] : memref<10000x64xf32, #tpu.memory_space<vmem_shared>> -> memref<125x64xf32, #tpu.memory_space<vmem_shared>>
      %dma_wait3A_77 = arith.constant 0 : i32
      %dma_wait3A_78 = tpu.memref_slice %arg18[%add3A_28, %dma_wait3A_77] : memref<10000x64xf32, #tpu.memory_space<vmem_shared>> -> memref<125x64xf32, #tpu.memory_space<vmem_shared>>
      %dma_wait3A_79 = arith.constant 0 : i32
      %dma_wait3A_80 = arith.constant 0 : i32
      %dma_wait3A_81 = tpu.memref_slice %arg15[%dma_wait3A_79, %dma_wait3A_80] : memref<128x64xf32, #tpu.memory_space<vmem>> -> memref<125x64xf32, #tpu.memory_space<vmem>>
      tpu.wait_dma2 semaphore(%run_scoped3A : memref<!tpu.dma_semaphore, #tpu.memory_space<semaphore_mem>>) src(%dma_wait3A_81 : memref<125x64xf32, #tpu.memory_space<vmem>>) dst(%dma_wait3A_78 : memref<125x64xf32, #tpu.memory_space<vmem_shared>>)
      tpu.yield
    }) : () -> ()
    %mul3A_29 = arith.constant 625 : i32
    %mul3A_30 = arith.muli %arg1, %mul3A_29 : i32
    %mul3A_31 = arith.constant 625 : i32
    %mul3A_32 = arith.muli %arg1, %mul3A_31 : i32
    "tpu.region"() ({
      %run_scoped3A = tpu.sem_alloc : memref<!tpu.dma_semaphore, #tpu.memory_space<semaphore_mem>>
      %dma_start3A = arith.constant 0 : i32
      %dma_start3A_64 = tpu.memref_slice %arg17[%mul3A_32, %dma_start3A] : memref<10000x64xf32, #tpu.memory_space<vmem_shared>> -> memref<625x64xf32, #tpu.memory_space<vmem_shared>>
      %dma_start3A_65 = arith.constant 0 : i32
      %dma_start3A_66 = tpu.memref_slice %arg4[%arg0, %mul3A_30, %dma_start3A_65] : memref<2x10000x64xf32, #tpu.memory_space<hbm>> -> memref<1x625x64xf32, #tpu.memory_space<hbm>>
      %dma_start3A_67 = tpu.memref_squeeze %dma_start3A_66 : memref<1x625x64xf32, #tpu.memory_space<hbm>> -> memref<625x64xf32, #tpu.memory_space<hbm>>
      tpu.enqueue_dma source(%dma_start3A_67 : memref<625x64xf32, #tpu.memory_space<hbm>>) target(%dma_start3A_64 : memref<625x64xf32, #tpu.memory_space<vmem_shared>>) target_semaphore(%run_scoped3A : memref<!tpu.dma_semaphore, #tpu.memory_space<semaphore_mem>>)
      %dma_wait3A = arith.constant 0 : i32
      %dma_wait3A_68 = tpu.memref_slice %arg17[%mul3A_32, %dma_wait3A] : memref<10000x64xf32, #tpu.memory_space<vmem_shared>> -> memref<625x64xf32, #tpu.memory_space<vmem_shared>>
      %dma_wait3A_69 = arith.constant 0 : i32
      %dma_wait3A_70 = tpu.memref_slice %arg4[%arg0, %mul3A_30, %dma_wait3A_69] : memref<2x10000x64xf32, #tpu.memory_space<hbm>> -> memref<1x625x64xf32, #tpu.memory_space<hbm>>
      %dma_wait3A_71 = tpu.memref_squeeze %dma_wait3A_70 : memref<1x625x64xf32, #tpu.memory_space<hbm>> -> memref<625x64xf32, #tpu.memory_space<hbm>>
      tpu.wait_dma2 semaphore(%run_scoped3A : memref<!tpu.dma_semaphore, #tpu.memory_space<semaphore_mem>>) src(%dma_wait3A_71 : memref<625x64xf32, #tpu.memory_space<hbm>>) dst(%dma_wait3A_68 : memref<625x64xf32, #tpu.memory_space<vmem_shared>>)
      tpu.yield
    }) : () -> ()
    "tpu.region"() ({
      %run_scoped3A = tpu.sem_alloc : memref<!tpu.dma_semaphore, #tpu.memory_space<semaphore_mem>>
      tpu.enqueue_dma source(%arg5 : memref<10000xf32, #tpu.memory_space<hbm>>) target(%arg9 : memref<10000xf32, #tpu.memory_space<vmem>>) target_semaphore(%run_scoped3A : memref<!tpu.dma_semaphore, #tpu.memory_space<semaphore_mem>>)
      tpu.wait_dma2 semaphore(%run_scoped3A : memref<!tpu.dma_semaphore, #tpu.memory_space<semaphore_mem>>) src(%arg5 : memref<10000xf32, #tpu.memory_space<hbm>>) dst(%arg9 : memref<10000xf32, #tpu.memory_space<vmem>>)
      tpu.yield
    }) : () -> ()
    "tpu.region"() ({
      %run_scoped3A = tpu.sem_alloc : memref<!tpu.dma_semaphore, #tpu.memory_space<semaphore_mem>>
      tpu.enqueue_dma source(%arg6 : memref<10000xf32, #tpu.memory_space<hbm>>) target(%arg10 : memref<10000xf32, #tpu.memory_space<vmem>>) target_semaphore(%run_scoped3A : memref<!tpu.dma_semaphore, #tpu.memory_space<semaphore_mem>>)
      tpu.wait_dma2 semaphore(%run_scoped3A : memref<!tpu.dma_semaphore, #tpu.memory_space<semaphore_mem>>) src(%arg6 : memref<10000xf32, #tpu.memory_space<hbm>>) dst(%arg10 : memref<10000xf32, #tpu.memory_space<vmem>>)
      tpu.yield
    }) : () -> ()
    %barrier3A = arith.constant 0 : index
    tpu.barrier barrier_id(%barrier3A)
    %mul3A_33 = arith.constant 160 : i32
    %mul3A_34 = arith.muli %arg1, %mul3A_33 : i32
    %scan3A_35 = arith.constant 0 : i32
    %scan3A_36 = arith.constant 0 : i32
    %scan3A_37 = arith.constant 20 : i32
    %scan3A_38 = arith.addi %scan3A_36, %scan3A_37 : i32
    %scan3A_39 = arith.constant 1 : i32
    scf.for %scan3A_64 = %scan3A_36 to %scan3A_38 step %scan3A_39  : i32 {
      %mul3A_65 = arith.constant 8 : i32
      %mul3A_66 = arith.muli %scan3A_64, %mul3A_65 : i32
      %add3A_67 = arith.addi %mul3A_34, %mul3A_66 : i32
      "tpu.region"() ({
        %run_scoped3A = tpu.sem_alloc : memref<!tpu.dma_semaphore, #tpu.memory_space<semaphore_mem>>
        %dma_start3A_89 = arith.constant 0 : i32
        %dma_start3A_90 = tpu.memref_slice %arg2[%add3A_67, %dma_start3A_89] : memref<2560x128xi32, #tpu.memory_space<hbm>> -> memref<8x128xi32, #tpu.memory_space<hbm>>
        %dma_start3A_91 = arith.constant 0 : i32
        %dma_start3A_92 = tpu.memref_slice %arg2[%add3A_67, %dma_start3A_91] : memref<2560x128xi32, #tpu.memory_space<hbm>> -> memref<8x128xi32, #tpu.memory_space<hbm>>
        tpu.enqueue_dma source(%dma_start3A_92 : memref<8x128xi32, #tpu.memory_space<hbm>>) target(%arg12 : memref<8x128xi32, #tpu.memory_space<vmem>>) target_semaphore(%run_scoped3A : memref<!tpu.dma_semaphore, #tpu.memory_space<semaphore_mem>>)
        %dma_wait3A = arith.constant 0 : i32
        %dma_wait3A_93 = tpu.memref_slice %arg2[%add3A_67, %dma_wait3A] : memref<2560x128xi32, #tpu.memory_space<hbm>> -> memref<8x128xi32, #tpu.memory_space<hbm>>
        %dma_wait3A_94 = arith.constant 0 : i32
        %dma_wait3A_95 = tpu.memref_slice %arg2[%add3A_67, %dma_wait3A_94] : memref<2560x128xi32, #tpu.memory_space<hbm>> -> memref<8x128xi32, #tpu.memory_space<hbm>>
        tpu.wait_dma2 semaphore(%run_scoped3A : memref<!tpu.dma_semaphore, #tpu.memory_space<semaphore_mem>>) src(%dma_wait3A_95 : memref<8x128xi32, #tpu.memory_space<hbm>>) dst(%arg12 : memref<8x128xi32, #tpu.memory_space<vmem>>)
        tpu.yield
      }) : () -> ()
      "tpu.region"() ({
        %run_scoped3A = tpu.sem_alloc : memref<!tpu.dma_semaphore, #tpu.memory_space<semaphore_mem>>
        %dma_start3A_89 = arith.constant 0 : i32
        %dma_start3A_90 = tpu.memref_slice %arg3[%add3A_67, %dma_start3A_89] : memref<2560x128xi32, #tpu.memory_space<hbm>> -> memref<8x128xi32, #tpu.memory_space<hbm>>
        %dma_start3A_91 = arith.constant 0 : i32
        %dma_start3A_92 = tpu.memref_slice %arg3[%add3A_67, %dma_start3A_91] : memref<2560x128xi32, #tpu.memory_space<hbm>> -> memref<8x128xi32, #tpu.memory_space<hbm>>
        tpu.enqueue_dma source(%dma_start3A_92 : memref<8x128xi32, #tpu.memory_space<hbm>>) target(%arg13 : memref<8x128xi32, #tpu.memory_space<vmem>>) target_semaphore(%run_scoped3A : memref<!tpu.dma_semaphore, #tpu.memory_space<semaphore_mem>>)
        %dma_wait3A = arith.constant 0 : i32
        %dma_wait3A_93 = tpu.memref_slice %arg3[%add3A_67, %dma_wait3A] : memref<2560x128xi32, #tpu.memory_space<hbm>> -> memref<8x128xi32, #tpu.memory_space<hbm>>
        %dma_wait3A_94 = arith.constant 0 : i32
        %dma_wait3A_95 = tpu.memref_slice %arg3[%add3A_67, %dma_wait3A_94] : memref<2560x128xi32, #tpu.memory_space<hbm>> -> memref<8x128xi32, #tpu.memory_space<hbm>>
        tpu.wait_dma2 semaphore(%run_scoped3A : memref<!tpu.dma_semaphore, #tpu.memory_space<semaphore_mem>>) src(%dma_wait3A_95 : memref<8x128xi32, #tpu.memory_space<hbm>>) dst(%arg13 : memref<8x128xi32, #tpu.memory_space<vmem>>)
        tpu.yield
      }) : () -> ()
      %parallel_loop3A = arith.constant 0 : i32
      %parallel_loop3A_68 = arith.constant 64 : i32
      %parallel_loop3A_69 = arith.constant 1 : i32
      scf.for %parallel_loop3A_89 = %parallel_loop3A to %parallel_loop3A_68 step %parallel_loop3A_69  : i32 {
        %parallel_loop3A_90 = arith.constant 8 : i32
        %parallel_loop3A_91 = arith.divsi %parallel_loop3A_89, %parallel_loop3A_90 : i32
        %parallel_loop3A_92 = arith.constant 0 : i32
        %parallel_loop3A_93 = arith.cmpi sgt, %parallel_loop3A_89, %parallel_loop3A_92 : i32
        %parallel_loop3A_94 = arith.extui %parallel_loop3A_93 : i1 to i32
        %parallel_loop3A_95 = arith.constant 0 : i32
        %parallel_loop3A_96 = arith.cmpi slt, %parallel_loop3A_89, %parallel_loop3A_95 : i32
        %parallel_loop3A_97 = arith.extui %parallel_loop3A_96 : i1 to i32
        %parallel_loop3A_98 = arith.subi %parallel_loop3A_94, %parallel_loop3A_97 : i32
        %parallel_loop3A_99 = arith.constant 0 : i32
        %parallel_loop3A_100 = arith.cmpi sgt, %parallel_loop3A_90, %parallel_loop3A_99 : i32
        %parallel_loop3A_101 = arith.extui %parallel_loop3A_100 : i1 to i32
        %parallel_loop3A_102 = arith.constant 0 : i32
        %parallel_loop3A_103 = arith.cmpi slt, %parallel_loop3A_90, %parallel_loop3A_102 : i32
        %parallel_loop3A_104 = arith.extui %parallel_loop3A_103 : i1 to i32
        %parallel_loop3A_105 = arith.subi %parallel_loop3A_101, %parallel_loop3A_104 : i32
        %parallel_loop3A_106 = arith.cmpi ne, %parallel_loop3A_98, %parallel_loop3A_105 : i32
        %parallel_loop3A_107 = arith.remsi %parallel_loop3A_89, %parallel_loop3A_90 : i32
        %parallel_loop3A_108 = arith.constant 0 : i32
        %parallel_loop3A_109 = arith.cmpi ne, %parallel_loop3A_107, %parallel_loop3A_108 : i32
        %parallel_loop3A_110 = arith.andi %parallel_loop3A_106, %parallel_loop3A_109 : i1
        %parallel_loop3A_111 = arith.constant 1 : i32
        %parallel_loop3A_112 = arith.subi %parallel_loop3A_91, %parallel_loop3A_111 : i32
        %parallel_loop3A_113 = arith.select %parallel_loop3A_110, %parallel_loop3A_112, %parallel_loop3A_91 : i32
        %parallel_loop3A_114 = arith.constant 8 : i32
        %parallel_loop3A_115 = arith.constant 0 : i32
        %parallel_loop3A_116 = arith.cmpi eq, %parallel_loop3A_114, %parallel_loop3A_115 : i32
        %parallel_loop3A_117 = arith.constant 1 : i32
        %parallel_loop3A_118 = arith.select %parallel_loop3A_116, %parallel_loop3A_117, %parallel_loop3A_114 : i32
        %parallel_loop3A_119 = arith.remsi %parallel_loop3A_89, %parallel_loop3A_118 : i32
        %parallel_loop3A_120 = arith.constant 0 : i32
        %parallel_loop3A_121 = arith.cmpi ne, %parallel_loop3A_119, %parallel_loop3A_120 : i32
        %parallel_loop3A_122 = arith.constant 0 : i32
        %parallel_loop3A_123 = arith.cmpi slt, %parallel_loop3A_119, %parallel_loop3A_122 : i32
        %parallel_loop3A_124 = arith.constant 0 : i32
        %parallel_loop3A_125 = arith.cmpi slt, %parallel_loop3A_118, %parallel_loop3A_124 : i32
        %parallel_loop3A_126 = arith.xori %parallel_loop3A_123, %parallel_loop3A_125 : i1
        %parallel_loop3A_127 = arith.andi %parallel_loop3A_126, %parallel_loop3A_121 : i1
        %parallel_loop3A_128 = arith.addi %parallel_loop3A_119, %parallel_loop3A_118 : i32
        %parallel_loop3A_129 = arith.select %parallel_loop3A_127, %parallel_loop3A_128, %parallel_loop3A_119 : i32
        %parallel_loop3A_130 = arith.constant 16 : i32
        %parallel_loop3A_131 = arith.muli %parallel_loop3A_129, %parallel_loop3A_130 : i32
        %parallel_loop3A_132 = arith.index_cast %parallel_loop3A_113 : i32 to index
        %parallel_loop3A_133 = arith.index_cast %parallel_loop3A_131 : i32 to index
        %parallel_loop3A_134 = tpu.vector_load %arg12[%parallel_loop3A_132, %parallel_loop3A_133] {strides = array<i32>} : memref<8x128xi32, #tpu.memory_space<vmem>>, vector<16xi32>,
        %parallel_loop3A_135 = arith.constant 16 : i32
        %parallel_loop3A_136 = arith.muli %parallel_loop3A_129, %parallel_loop3A_135 : i32
        %parallel_loop3A_137 = arith.index_cast %parallel_loop3A_113 : i32 to index
        %parallel_loop3A_138 = arith.index_cast %parallel_loop3A_136 : i32 to index
        %parallel_loop3A_139 = tpu.vector_load %arg13[%parallel_loop3A_137, %parallel_loop3A_138] {strides = array<i32>} : memref<8x128xi32, #tpu.memory_space<vmem>>, vector<16xi32>,
        %parallel_loop3A_140 = tpu.vector_load_idx %arg9[%parallel_loop3A_134] : memref<10000xf32, #tpu.memory_space<vmem>>[vector<16xi32>], vector<16xf32>,
        %parallel_loop3A_141 = tpu.vector_load_idx %arg10[%parallel_loop3A_139] : memref<10000xf32, #tpu.memory_space<vmem>>[vector<16xi32>], vector<16xf32>,
        %parallel_loop3A_142 = arith.addf %parallel_loop3A_140, %parallel_loop3A_141 : vector<16xf32>
        %parallel_loop3A_143 = arith.constant 0.000000e+00 : f32
        %parallel_loop3A_144 = vector.broadcast %parallel_loop3A_143 : f32 to vector<16xf32>
        %parallel_loop3A_145 = arith.cmpf oge, %parallel_loop3A_142, %parallel_loop3A_144 : vector<16xf32>
        %parallel_loop3A_146 = arith.constant 2.000000e-01 : f32
        %parallel_loop3A_147 = vector.broadcast %parallel_loop3A_146 : f32 to vector<16xf32>
        %parallel_loop3A_148 = arith.mulf %parallel_loop3A_142, %parallel_loop3A_147 : vector<16xf32>
        %parallel_loop3A_149 = arith.select %parallel_loop3A_145, %parallel_loop3A_142, %parallel_loop3A_148 : vector<16xi1>, vector<16xf32>
        %parallel_loop3A_150 = math.exp %parallel_loop3A_149 : vector<16xf32>
        %parallel_loop3A_151 = arith.addi %add3A_67, %parallel_loop3A_113 : i32
        %parallel_loop3A_152 = arith.constant 128 : i32
        %parallel_loop3A_153 = arith.muli %parallel_loop3A_151, %parallel_loop3A_152 : i32
        %parallel_loop3A_154 = arith.constant 16 : i32
        %parallel_loop3A_155 = arith.muli %parallel_loop3A_129, %parallel_loop3A_154 : i32
        %parallel_loop3A_156 = arith.addi %parallel_loop3A_153, %parallel_loop3A_155 : i32
        %parallel_loop3A_157 = tpu.iota {dimensions = array<i32: 0>} : vector<16xi32>
        %parallel_loop3A_158 = vector.broadcast %parallel_loop3A_156 : i32 to vector<16xi32>
        %parallel_loop3A_159 = arith.addi %parallel_loop3A_158, %parallel_loop3A_157 : vector<16xi32>
        %parallel_loop3A_160 = arith.constant 320000 : i32
        %parallel_loop3A_161 = vector.broadcast %parallel_loop3A_160 : i32 to vector<16xi32>
        %parallel_loop3A_162 = arith.cmpi slt, %parallel_loop3A_159, %parallel_loop3A_161 : vector<16xi32>
        %parallel_loop3A_163 = arith.constant 0.000000e+00 : f32
        %parallel_loop3A_164 = vector.broadcast %parallel_loop3A_163 : f32 to vector<16xf32>
        %parallel_loop3A_165 = arith.select %parallel_loop3A_162, %parallel_loop3A_150, %parallel_loop3A_164 : vector<16xi1>, vector<16xf32>
        %parallel_loop3A_166 = arith.constant 16 : i32
        %parallel_loop3A_167 = arith.muli %parallel_loop3A_129, %parallel_loop3A_166 : i32
        %parallel_loop3A_168 = arith.index_cast %parallel_loop3A_113 : i32 to index
        %parallel_loop3A_169 = arith.index_cast %parallel_loop3A_167 : i32 to index
        %parallel_loop3A_170 = tpu.vector_load %arg14[%parallel_loop3A_168, %parallel_loop3A_169] {strides = array<i32>} : memref<8x128xf32, #tpu.memory_space<vmem>>, vector<16xf32>,
        tpu.vector_store %arg14[%parallel_loop3A_168, %parallel_loop3A_169], %parallel_loop3A_165 {strides = array<i32>} : memref<8x128xf32, #tpu.memory_space<vmem>>, vector<16xf32>,
        tpu.vector_store_idx %arg11[%parallel_loop3A_139], %parallel_loop3A_165 {add = true} : memref<10000xf32, #tpu.memory_space<vmem>>[vector<16xi32>], vector<16xf32>,
      } {sc.loop_unroll_factor = 2 : i64, sc.parallel_access}
      %dma_start3A = arith.constant 0 : i32
      %dma_start3A_70 = arith.constant 0 : i32
      %dma_start3A_71 = tpu.memref_slice %arg12[%dma_start3A, %dma_start3A_70] : memref<8x128xi32, #tpu.memory_space<vmem>> -> memref<1x128xi32, #tpu.memory_space<vmem>>
      %dma_start3A_72 = tpu.memref_squeeze %dma_start3A_71 : memref<1x128xi32, #tpu.memory_space<vmem>> -> memref<128xi32, #tpu.memory_space<vmem>>
      %dma_start3A_73 = arith.constant 0 : i32
      %dma_start3A_74 = arith.constant 0 : i32
      %dma_start3A_75 = tpu.memref_slice %arg17[%dma_start3A_73, %dma_start3A_74] : memref<10000x64xf32, #tpu.memory_space<vmem_shared>> -> memref<10000x64xf32, #tpu.memory_space<vmem_shared>>
      tpu.enqueue_indirect_dma source(%dma_start3A_75 : memref<10000x64xf32, #tpu.memory_space<vmem_shared>>) target(%arg15 : memref<128x64xf32, #tpu.memory_space<vmem>>) offsets(%dma_start3A_72 : memref<128xi32, #tpu.memory_space<vmem>>) semaphore(%arg19 : memref<!tpu.dma_semaphore, #tpu.memory_space<semaphore_mem>>)
      %dma_start3A_76 = arith.constant 1 : i32
      %dma_start3A_77 = arith.constant 0 : i32
      %dma_start3A_78 = tpu.memref_slice %arg12[%dma_start3A_76, %dma_start3A_77] : memref<8x128xi32, #tpu.memory_space<vmem>> -> memref<1x128xi32, #tpu.memory_space<vmem>>
      %dma_start3A_79 = tpu.memref_squeeze %dma_start3A_78 : memref<1x128xi32, #tpu.memory_space<vmem>> -> memref<128xi32, #tpu.memory_space<vmem>>
      %dma_start3A_80 = arith.constant 0 : i32
      %dma_start3A_81 = arith.constant 0 : i32
      %dma_start3A_82 = tpu.memref_slice %arg17[%dma_start3A_80, %dma_start3A_81] : memref<10000x64xf32, #tpu.memory_space<vmem_shared>> -> memref<10000x64xf32, #tpu.memory_space<vmem_shared>>
      tpu.enqueue_indirect_dma source(%dma_start3A_82 : memref<10000x64xf32, #tpu.memory_space<vmem_shared>>) target(%arg16 : memref<128x64xf32, #tpu.memory_space<vmem>>) offsets(%dma_start3A_79 : memref<128xi32, #tpu.memory_space<vmem>>) semaphore(%arg20 : memref<!tpu.dma_semaphore, #tpu.memory_space<semaphore_mem>>)
      %scan3A_83 = arith.constant 0 : i32
      %scan3A_84 = arith.constant 0 : i32
      %scan3A_85 = arith.constant 4 : i32
      %scan3A_86 = arith.addi %scan3A_84, %scan3A_85 : i32
      %scan3A_87 = arith.constant 1 : i32
      scf.for %scan3A_89 = %scan3A_84 to %scan3A_86 step %scan3A_87  : i32 {
        %mul3A_90 = arith.constant 2 : i32
        %mul3A_91 = arith.muli %scan3A_89, %mul3A_90 : i32
        %add3A_92 = arith.constant 1 : i32
        %add3A_93 = arith.addi %mul3A_91, %add3A_92 : i32
        %dma_wait3A = arith.constant 0 : i32
        %dma_wait3A_94 = tpu.memref_slice %arg12[%mul3A_91, %dma_wait3A] : memref<8x128xi32, #tpu.memory_space<vmem>> -> memref<1x128xi32, #tpu.memory_space<vmem>>
        %dma_wait3A_95 = tpu.memref_squeeze %dma_wait3A_94 : memref<1x128xi32, #tpu.memory_space<vmem>> -> memref<128xi32, #tpu.memory_space<vmem>>
        %dma_wait3A_96 = arith.constant 0 : i32
        %dma_wait3A_97 = arith.constant 0 : i32
        %dma_wait3A_98 = tpu.memref_slice %arg17[%dma_wait3A_96, %dma_wait3A_97] : memref<10000x64xf32, #tpu.memory_space<vmem_shared>> -> memref<10000x64xf32, #tpu.memory_space<vmem_shared>>
        tpu.wait_indirect_dma semaphore(%arg19 : memref<!tpu.dma_semaphore, #tpu.memory_space<semaphore_mem>>) src(%dma_wait3A_98 : memref<10000x64xf32, #tpu.memory_space<vmem_shared>>) dst(%arg15 : memref<128x64xf32, #tpu.memory_space<vmem>>)
        %parallel_loop3A_99 = arith.constant 0 : i32
        %parallel_loop3A_100 = arith.constant 128 : i32
        %parallel_loop3A_101 = arith.constant 1 : i32
        scf.for %parallel_loop3A_120 = %parallel_loop3A_99 to %parallel_loop3A_100 step %parallel_loop3A_101  : i32 {
          %parallel_loop3A_121 = vector.broadcast %mul3A_91 : i32 to vector<16xi32>
          %parallel_loop3A_122 = vector.broadcast %parallel_loop3A_120 : i32 to vector<16xi32>
          %parallel_loop3A_123 = tpu.vector_load_idx %arg14[%parallel_loop3A_121, %parallel_loop3A_122] : memref<8x128xf32, #tpu.memory_space<vmem>>[vector<16xi32>, vector<16xi32>], vector<16xf32>,
          %parallel_loop3A_124 = arith.index_cast %parallel_loop3A_120 : i32 to index
          %parallel_loop3A_125 = arith.constant 0 : index
          %parallel_loop3A_126 = tpu.vector_load %arg15[%parallel_loop3A_124, %parallel_loop3A_125] {strides = array<i32>} : memref<128x64xf32, #tpu.memory_space<vmem>>, vector<16xf32>,
          %parallel_loop3A_127 = arith.mulf %parallel_loop3A_126, %parallel_loop3A_123 : vector<16xf32>
          %parallel_loop3A_128 = arith.index_cast %parallel_loop3A_120 : i32 to index
          %parallel_loop3A_129 = arith.constant 0 : index
          %parallel_loop3A_130 = tpu.vector_load %arg15[%parallel_loop3A_128, %parallel_loop3A_129] {strides = array<i32>} : memref<128x64xf32, #tpu.memory_space<vmem>>, vector<16xf32>,
          tpu.vector_store %arg15[%parallel_loop3A_128, %parallel_loop3A_129], %parallel_loop3A_127 {strides = array<i32>} : memref<128x64xf32, #tpu.memory_space<vmem>>, vector<16xf32>,
          %parallel_loop3A_131 = arith.index_cast %parallel_loop3A_120 : i32 to index
          %parallel_loop3A_132 = arith.constant 16 : index
          %parallel_loop3A_133 = tpu.vector_load %arg15[%parallel_loop3A_131, %parallel_loop3A_132] {strides = array<i32>} : memref<128x64xf32, #tpu.memory_space<vmem>>, vector<16xf32>,
          %parallel_loop3A_134 = arith.mulf %parallel_loop3A_133, %parallel_loop3A_123 : vector<16xf32>
          %parallel_loop3A_135 = arith.index_cast %parallel_loop3A_120 : i32 to index
          %parallel_loop3A_136 = arith.constant 16 : index
          %parallel_loop3A_137 = tpu.vector_load %arg15[%parallel_loop3A_135, %parallel_loop3A_136] {strides = array<i32>} : memref<128x64xf32, #tpu.memory_space<vmem>>, vector<16xf32>,
          tpu.vector_store %arg15[%parallel_loop3A_135, %parallel_loop3A_136], %parallel_loop3A_134 {strides = array<i32>} : memref<128x64xf32, #tpu.memory_space<vmem>>, vector<16xf32>,
          %parallel_loop3A_138 = arith.index_cast %parallel_loop3A_120 : i32 to index
          %parallel_loop3A_139 = arith.constant 32 : index
          %parallel_loop3A_140 = tpu.vector_load %arg15[%parallel_loop3A_138, %parallel_loop3A_139] {strides = array<i32>} : memref<128x64xf32, #tpu.memory_space<vmem>>, vector<16xf32>,
          %parallel_loop3A_141 = arith.mulf %parallel_loop3A_140, %parallel_loop3A_123 : vector<16xf32>
          %parallel_loop3A_142 = arith.index_cast %parallel_loop3A_120 : i32 to index
          %parallel_loop3A_143 = arith.constant 32 : index
          %parallel_loop3A_144 = tpu.vector_load %arg15[%parallel_loop3A_142, %parallel_loop3A_143] {strides = array<i32>} : memref<128x64xf32, #tpu.memory_space<vmem>>, vector<16xf32>,
          tpu.vector_store %arg15[%parallel_loop3A_142, %parallel_loop3A_143], %parallel_loop3A_141 {strides = array<i32>} : memref<128x64xf32, #tpu.memory_space<vmem>>, vector<16xf32>,
          %parallel_loop3A_145 = arith.index_cast %parallel_loop3A_120 : i32 to index
          %parallel_loop3A_146 = arith.constant 48 : index
          %parallel_loop3A_147 = tpu.vector_load %arg15[%parallel_loop3A_145, %parallel_loop3A_146] {strides = array<i32>} : memref<128x64xf32, #tpu.memory_space<vmem>>, vector<16xf32>,
          %parallel_loop3A_148 = arith.mulf %parallel_loop3A_147, %parallel_loop3A_123 : vector<16xf32>
          %parallel_loop3A_149 = arith.index_cast %parallel_loop3A_120 : i32 to index
          %parallel_loop3A_150 = arith.constant 48 : index
          %parallel_loop3A_151 = tpu.vector_load %arg15[%parallel_loop3A_149, %parallel_loop3A_150] {strides = array<i32>} : memref<128x64xf32, #tpu.memory_space<vmem>>, vector<16xf32>,
          tpu.vector_store %arg15[%parallel_loop3A_149, %parallel_loop3A_150], %parallel_loop3A_148 {strides = array<i32>} : memref<128x64xf32, #tpu.memory_space<vmem>>, vector<16xf32>,
        } {sc.loop_unroll_factor = 4 : i64, sc.parallel_access}
        "tpu.region"() ({
          %run_scoped3A = tpu.sem_alloc : memref<!tpu.dma_semaphore, #tpu.memory_space<semaphore_mem>>
          %dma_start3A_120 = arith.constant 0 : i32
          %dma_start3A_121 = tpu.memref_slice %arg13[%mul3A_91, %dma_start3A_120] : memref<8x128xi32, #tpu.memory_space<vmem>> -> memref<1x128xi32, #tpu.memory_space<vmem>>
          %dma_start3A_122 = tpu.memref_squeeze %dma_start3A_121 : memref<1x128xi32, #tpu.memory_space<vmem>> -> memref<128xi32, #tpu.memory_space<vmem>>
          %dma_start3A_123 = arith.constant 0 : i32
          %dma_start3A_124 = arith.constant 0 : i32
          %dma_start3A_125 = tpu.memref_slice %arg18[%dma_start3A_123, %dma_start3A_124] : memref<10000x64xf32, #tpu.memory_space<vmem_shared>> -> memref<10000x64xf32, #tpu.memory_space<vmem_shared>>
          tpu.enqueue_indirect_dma source(%arg15 : memref<128x64xf32, #tpu.memory_space<vmem>>) target(%dma_start3A_125 : memref<10000x64xf32, #tpu.memory_space<vmem_shared>>) offsets(%dma_start3A_122 : memref<128xi32, #tpu.memory_space<vmem>>) semaphore(%run_scoped3A : memref<!tpu.dma_semaphore, #tpu.memory_space<semaphore_mem>>) {add = true}
          %dma_wait3A_126 = arith.constant 0 : i32
          %dma_wait3A_127 = tpu.memref_slice %arg13[%mul3A_91, %dma_wait3A_126] : memref<8x128xi32, #tpu.memory_space<vmem>> -> memref<1x128xi32, #tpu.memory_space<vmem>>
          %dma_wait3A_128 = tpu.memref_squeeze %dma_wait3A_127 : memref<1x128xi32, #tpu.memory_space<vmem>> -> memref<128xi32, #tpu.memory_space<vmem>>
          %dma_wait3A_129 = arith.constant 0 : i32
          %dma_wait3A_130 = arith.constant 0 : i32
          %dma_wait3A_131 = tpu.memref_slice %arg18[%dma_wait3A_129, %dma_wait3A_130] : memref<10000x64xf32, #tpu.memory_space<vmem_shared>> -> memref<10000x64xf32, #tpu.memory_space<vmem_shared>>
          tpu.wait_indirect_dma semaphore(%run_scoped3A : memref<!tpu.dma_semaphore, #tpu.memory_space<semaphore_mem>>) src(%arg15 : memref<128x64xf32, #tpu.memory_space<vmem>>) dst(%dma_wait3A_131 : memref<10000x64xf32, #tpu.memory_space<vmem_shared>>)
          tpu.yield
        }) : () -> ()
        %lt3A = arith.constant 3 : i32
        %lt3A_102 = arith.cmpi slt, %scan3A_89, %lt3A : i32
        %convert_element_type3A_103 = arith.extui %lt3A_102 : i1 to i32
        %cond3A_104 = arith.constant 0 : i32
        %cond3A_105 = arith.cmpi ne, %convert_element_type3A_103, %cond3A_104 : i32
        scf.if %cond3A_105 {
          %add3A_120 = arith.constant 2 : i32
          %add3A_121 = arith.addi %mul3A_91, %add3A_120 : i32
          %dma_start3A_122 = arith.constant 0 : i32
          %dma_start3A_123 = tpu.memref_slice %arg12[%add3A_121, %dma_start3A_122] : memref<8x128xi32, #tpu.memory_space<vmem>> -> memref<1x128xi32, #tpu.memory_space<vmem>>
          %dma_start3A_124 = tpu.memref_squeeze %dma_start3A_123 : memref<1x128xi32, #tpu.memory_space<vmem>> -> memref<128xi32, #tpu.memory_space<vmem>>
          %dma_start3A_125 = arith.constant 0 : i32
          %dma_start3A_126 = arith.constant 0 : i32
          %dma_start3A_127 = tpu.memref_slice %arg17[%dma_start3A_125, %dma_start3A_126] : memref<10000x64xf32, #tpu.memory_space<vmem_shared>> -> memref<10000x64xf32, #tpu.memory_space<vmem_shared>>
          tpu.enqueue_indirect_dma source(%dma_start3A_127 : memref<10000x64xf32, #tpu.memory_space<vmem_shared>>) target(%arg15 : memref<128x64xf32, #tpu.memory_space<vmem>>) offsets(%dma_start3A_124 : memref<128xi32, #tpu.memory_space<vmem>>) semaphore(%arg19 : memref<!tpu.dma_semaphore, #tpu.memory_space<semaphore_mem>>)
        } else {
        }
        %dma_wait3A_106 = arith.constant 0 : i32
        %dma_wait3A_107 = tpu.memref_slice %arg12[%add3A_93, %dma_wait3A_106] : memref<8x128xi32, #tpu.memory_space<vmem>> -> memref<1x128xi32, #tpu.memory_space<vmem>>
        %dma_wait3A_108 = tpu.memref_squeeze %dma_wait3A_107 : memref<1x128xi32, #tpu.memory_space<vmem>> -> memref<128xi32, #tpu.memory_space<vmem>>
        %dma_wait3A_109 = arith.constant 0 : i32
        %dma_wait3A_110 = arith.constant 0 : i32
        %dma_wait3A_111 = tpu.memref_slice %arg17[%dma_wait3A_109, %dma_wait3A_110] : memref<10000x64xf32, #tpu.memory_space<vmem_shared>> -> memref<10000x64xf32, #tpu.memory_space<vmem_shared>>
        tpu.wait_indirect_dma semaphore(%arg20 : memref<!tpu.dma_semaphore, #tpu.memory_space<semaphore_mem>>) src(%dma_wait3A_111 : memref<10000x64xf32, #tpu.memory_space<vmem_shared>>) dst(%arg16 : memref<128x64xf32, #tpu.memory_space<vmem>>)
        %parallel_loop3A_112 = arith.constant 0 : i32
        %parallel_loop3A_113 = arith.constant 128 : i32
        %parallel_loop3A_114 = arith.constant 1 : i32
        scf.for %parallel_loop3A_120 = %parallel_loop3A_112 to %parallel_loop3A_113 step %parallel_loop3A_114  : i32 {
          %parallel_loop3A_121 = vector.broadcast %add3A_93 : i32 to vector<16xi32>
          %parallel_loop3A_122 = vector.broadcast %parallel_loop3A_120 : i32 to vector<16xi32>
          %parallel_loop3A_123 = tpu.vector_load_idx %arg14[%parallel_loop3A_121, %parallel_loop3A_122] : memref<8x128xf32, #tpu.memory_space<vmem>>[vector<16xi32>, vector<16xi32>], vector<16xf32>,
          %parallel_loop3A_124 = arith.index_cast %parallel_loop3A_120 : i32 to index
          %parallel_loop3A_125 = arith.constant 0 : index
          %parallel_loop3A_126 = tpu.vector_load %arg16[%parallel_loop3A_124, %parallel_loop3A_125] {strides = array<i32>} : memref<128x64xf32, #tpu.memory_space<vmem>>, vector<16xf32>,
          %parallel_loop3A_127 = arith.mulf %parallel_loop3A_126, %parallel_loop3A_123 : vector<16xf32>
          %parallel_loop3A_128 = arith.index_cast %parallel_loop3A_120 : i32 to index
          %parallel_loop3A_129 = arith.constant 0 : index
          %parallel_loop3A_130 = tpu.vector_load %arg16[%parallel_loop3A_128, %parallel_loop3A_129] {strides = array<i32>} : memref<128x64xf32, #tpu.memory_space<vmem>>, vector<16xf32>,
          tpu.vector_store %arg16[%parallel_loop3A_128, %parallel_loop3A_129], %parallel_loop3A_127 {strides = array<i32>} : memref<128x64xf32, #tpu.memory_space<vmem>>, vector<16xf32>,
          %parallel_loop3A_131 = arith.index_cast %parallel_loop3A_120 : i32 to index
          %parallel_loop3A_132 = arith.constant 16 : index
          %parallel_loop3A_133 = tpu.vector_load %arg16[%parallel_loop3A_131, %parallel_loop3A_132] {strides = array<i32>} : memref<128x64xf32, #tpu.memory_space<vmem>>, vector<16xf32>,
          %parallel_loop3A_134 = arith.mulf %parallel_loop3A_133, %parallel_loop3A_123 : vector<16xf32>
          %parallel_loop3A_135 = arith.index_cast %parallel_loop3A_120 : i32 to index
          %parallel_loop3A_136 = arith.constant 16 : index
          %parallel_loop3A_137 = tpu.vector_load %arg16[%parallel_loop3A_135, %parallel_loop3A_136] {strides = array<i32>} : memref<128x64xf32, #tpu.memory_space<vmem>>, vector<16xf32>,
          tpu.vector_store %arg16[%parallel_loop3A_135, %parallel_loop3A_136], %parallel_loop3A_134 {strides = array<i32>} : memref<128x64xf32, #tpu.memory_space<vmem>>, vector<16xf32>,
          %parallel_loop3A_138 = arith.index_cast %parallel_loop3A_120 : i32 to index
          %parallel_loop3A_139 = arith.constant 32 : index
          %parallel_loop3A_140 = tpu.vector_load %arg16[%parallel_loop3A_138, %parallel_loop3A_139] {strides = array<i32>} : memref<128x64xf32, #tpu.memory_space<vmem>>, vector<16xf32>,
          %parallel_loop3A_141 = arith.mulf %parallel_loop3A_140, %parallel_loop3A_123 : vector<16xf32>
          %parallel_loop3A_142 = arith.index_cast %parallel_loop3A_120 : i32 to index
          %parallel_loop3A_143 = arith.constant 32 : index
          %parallel_loop3A_144 = tpu.vector_load %arg16[%parallel_loop3A_142, %parallel_loop3A_143] {strides = array<i32>} : memref<128x64xf32, #tpu.memory_space<vmem>>, vector<16xf32>,
          tpu.vector_store %arg16[%parallel_loop3A_142, %parallel_loop3A_143], %parallel_loop3A_141 {strides = array<i32>} : memref<128x64xf32, #tpu.memory_space<vmem>>, vector<16xf32>,
          %parallel_loop3A_145 = arith.index_cast %parallel_loop3A_120 : i32 to index
          %parallel_loop3A_146 = arith.constant 48 : index
          %parallel_loop3A_147 = tpu.vector_load %arg16[%parallel_loop3A_145, %parallel_loop3A_146] {strides = array<i32>} : memref<128x64xf32, #tpu.memory_space<vmem>>, vector<16xf32>,
          %parallel_loop3A_148 = arith.mulf %parallel_loop3A_147, %parallel_loop3A_123 : vector<16xf32>
          %parallel_loop3A_149 = arith.index_cast %parallel_loop3A_120 : i32 to index
          %parallel_loop3A_150 = arith.constant 48 : index
          %parallel_loop3A_151 = tpu.vector_load %arg16[%parallel_loop3A_149, %parallel_loop3A_150] {strides = array<i32>} : memref<128x64xf32, #tpu.memory_space<vmem>>, vector<16xf32>,
          tpu.vector_store %arg16[%parallel_loop3A_149, %parallel_loop3A_150], %parallel_loop3A_148 {strides = array<i32>} : memref<128x64xf32, #tpu.memory_space<vmem>>, vector<16xf32>,
        } {sc.loop_unroll_factor = 4 : i64, sc.parallel_access}
        "tpu.region"() ({
          %run_scoped3A = tpu.sem_alloc : memref<!tpu.dma_semaphore, #tpu.memory_space<semaphore_mem>>
          %dma_start3A_120 = arith.constant 0 : i32
          %dma_start3A_121 = tpu.memref_slice %arg13[%add3A_93, %dma_start3A_120] : memref<8x128xi32, #tpu.memory_space<vmem>> -> memref<1x128xi32, #tpu.memory_space<vmem>>
          %dma_start3A_122 = tpu.memref_squeeze %dma_start3A_121 : memref<1x128xi32, #tpu.memory_space<vmem>> -> memref<128xi32, #tpu.memory_space<vmem>>
          %dma_start3A_123 = arith.constant 0 : i32
          %dma_start3A_124 = arith.constant 0 : i32
          %dma_start3A_125 = tpu.memref_slice %arg18[%dma_start3A_123, %dma_start3A_124] : memref<10000x64xf32, #tpu.memory_space<vmem_shared>> -> memref<10000x64xf32, #tpu.memory_space<vmem_shared>>
          tpu.enqueue_indirect_dma source(%arg16 : memref<128x64xf32, #tpu.memory_space<vmem>>) target(%dma_start3A_125 : memref<10000x64xf32, #tpu.memory_space<vmem_shared>>) offsets(%dma_start3A_122 : memref<128xi32, #tpu.memory_space<vmem>>) semaphore(%run_scoped3A : memref<!tpu.dma_semaphore, #tpu.memory_space<semaphore_mem>>) {add = true}
          %dma_wait3A_126 = arith.constant 0 : i32
          %dma_wait3A_127 = tpu.memref_slice %arg13[%add3A_93, %dma_wait3A_126] : memref<8x128xi32, #tpu.memory_space<vmem>> -> memref<1x128xi32, #tpu.memory_space<vmem>>
          %dma_wait3A_128 = tpu.memref_squeeze %dma_wait3A_127 : memref<1x128xi32, #tpu.memory_space<vmem>> -> memref<128xi32, #tpu.memory_space<vmem>>
          %dma_wait3A_129 = arith.constant 0 : i32
          %dma_wait3A_130 = arith.constant 0 : i32
          %dma_wait3A_131 = tpu.memref_slice %arg18[%dma_wait3A_129, %dma_wait3A_130] : memref<10000x64xf32, #tpu.memory_space<vmem_shared>> -> memref<10000x64xf32, #tpu.memory_space<vmem_shared>>
          tpu.wait_indirect_dma semaphore(%run_scoped3A : memref<!tpu.dma_semaphore, #tpu.memory_space<semaphore_mem>>) src(%arg16 : memref<128x64xf32, #tpu.memory_space<vmem>>) dst(%dma_wait3A_131 : memref<10000x64xf32, #tpu.memory_space<vmem_shared>>)
          tpu.yield
        }) : () -> ()
        %lt3A_115 = arith.constant 3 : i32
        %lt3A_116 = arith.cmpi slt, %scan3A_89, %lt3A_115 : i32
        %convert_element_type3A_117 = arith.extui %lt3A_116 : i1 to i32
        %cond3A_118 = arith.constant 0 : i32
        %cond3A_119 = arith.cmpi ne, %convert_element_type3A_117, %cond3A_118 : i32
        scf.if %cond3A_119 {
          %add3A_120 = arith.constant 2 : i32
          %add3A_121 = arith.addi %add3A_93, %add3A_120 : i32
          %dma_start3A_122 = arith.constant 0 : i32
          %dma_start3A_123 = tpu.memref_slice %arg12[%add3A_121, %dma_start3A_122] : memref<8x128xi32, #tpu.memory_space<vmem>> -> memref<1x128xi32, #tpu.memory_space<vmem>>
          %dma_start3A_124 = tpu.memref_squeeze %dma_start3A_123 : memref<1x128xi32, #tpu.memory_space<vmem>> -> memref<128xi32, #tpu.memory_space<vmem>>
          %dma_start3A_125 = arith.constant 0 : i32
          %dma_start3A_126 = arith.constant 0 : i32
          %dma_start3A_127 = tpu.memref_slice %arg17[%dma_start3A_125, %dma_start3A_126] : memref<10000x64xf32, #tpu.memory_space<vmem_shared>> -> memref<10000x64xf32, #tpu.memory_space<vmem_shared>>
          tpu.enqueue_indirect_dma source(%dma_start3A_127 : memref<10000x64xf32, #tpu.memory_space<vmem_shared>>) target(%arg16 : memref<128x64xf32, #tpu.memory_space<vmem>>) offsets(%dma_start3A_124 : memref<128xi32, #tpu.memory_space<vmem>>) semaphore(%arg20 : memref<!tpu.dma_semaphore, #tpu.memory_space<semaphore_mem>>)
        } else {
        }
      }
      %scan3A_88 = arith.constant 4 : i32
    }
    %scan3A_40 = arith.constant 20 : i32
    %barrier3A_41 = arith.constant 0 : index
    tpu.barrier barrier_id(%barrier3A_41)
    %eq3A = arith.constant 0 : i32
    %eq3A_42 = arith.cmpi eq, %arg0, %eq3A : i32
    %convert_element_type3A = arith.extui %eq3A_42 : i1 to i32
    %cond3A = arith.constant 0 : i32
    %cond3A_43 = arith.cmpi ne, %convert_element_type3A, %cond3A : i32
    scf.if %cond3A_43 {
      "tpu.region"() ({
        %run_scoped3A = tpu.sem_alloc : memref<!tpu.dma_semaphore, #tpu.memory_space<semaphore_mem>>
        %dma_start3A = arith.constant 0 : i32
        %dma_start3A_64 = tpu.memref_slice %arg8[%arg1, %dma_start3A] : memref<16x10000xf32, #tpu.memory_space<hbm>> -> memref<1x10000xf32, #tpu.memory_space<hbm>>
        %dma_start3A_65 = tpu.memref_squeeze %dma_start3A_64 : memref<1x10000xf32, #tpu.memory_space<hbm>> -> memref<10000xf32, #tpu.memory_space<hbm>>
        %dma_start3A_66 = arith.constant 0 : i32
        %dma_start3A_67 = tpu.memref_slice %arg8[%arg1, %dma_start3A_66] : memref<16x10000xf32, #tpu.memory_space<hbm>> -> memref<1x10000xf32, #tpu.memory_space<hbm>>
        %dma_start3A_68 = tpu.memref_squeeze %dma_start3A_67 : memref<1x10000xf32, #tpu.memory_space<hbm>> -> memref<10000xf32, #tpu.memory_space<hbm>>
        tpu.enqueue_dma source(%arg11 : memref<10000xf32, #tpu.memory_space<vmem>>) target(%dma_start3A_68 : memref<10000xf32, #tpu.memory_space<hbm>>) target_semaphore(%run_scoped3A : memref<!tpu.dma_semaphore, #tpu.memory_space<semaphore_mem>>)
        %dma_wait3A = arith.constant 0 : i32
        %dma_wait3A_69 = tpu.memref_slice %arg8[%arg1, %dma_wait3A] : memref<16x10000xf32, #tpu.memory_space<hbm>> -> memref<1x10000xf32, #tpu.memory_space<hbm>>
        %dma_wait3A_70 = tpu.memref_squeeze %dma_wait3A_69 : memref<1x10000xf32, #tpu.memory_space<hbm>> -> memref<10000xf32, #tpu.memory_space<hbm>>
        %dma_wait3A_71 = arith.constant 0 : i32
        %dma_wait3A_72 = tpu.memref_slice %arg8[%arg1, %dma_wait3A_71] : memref<16x10000xf32, #tpu.memory_space<hbm>> -> memref<1x10000xf32, #tpu.memory_space<hbm>>
        %dma_wait3A_73 = tpu.memref_squeeze %dma_wait3A_72 : memref<1x10000xf32, #tpu.memory_space<hbm>> -> memref<10000xf32, #tpu.memory_space<hbm>>
        tpu.wait_dma2 semaphore(%run_scoped3A : memref<!tpu.dma_semaphore, #tpu.memory_space<semaphore_mem>>) src(%arg11 : memref<10000xf32, #tpu.memory_space<vmem>>) dst(%dma_wait3A_73 : memref<10000xf32, #tpu.memory_space<hbm>>)
        tpu.yield
      }) : () -> ()
    } else {
    }
    %mul3A_44 = arith.constant 625 : i32
    %mul3A_45 = arith.muli %arg1, %mul3A_44 : i32
    %add3A_46 = arith.constant 0 : i32
    %add3A_47 = arith.addi %mul3A_45, %add3A_46 : i32
    "tpu.region"() ({
      %run_scoped3A = tpu.sem_alloc : memref<!tpu.dma_semaphore, #tpu.memory_space<semaphore_mem>>
      %dma_start3A = arith.constant 0 : i32
      %dma_start3A_64 = tpu.memref_slice %arg7[%arg0, %add3A_47, %dma_start3A] : memref<2x10000x64xf32, #tpu.memory_space<hbm>> -> memref<1x125x64xf32, #tpu.memory_space<hbm>>
      %dma_start3A_65 = tpu.memref_squeeze %dma_start3A_64 : memref<1x125x64xf32, #tpu.memory_space<hbm>> -> memref<125x64xf32, #tpu.memory_space<hbm>>
      %dma_start3A_66 = arith.constant 0 : i32
      %dma_start3A_67 = tpu.memref_slice %arg18[%add3A_47, %dma_start3A_66] : memref<10000x64xf32, #tpu.memory_space<vmem_shared>> -> memref<125x64xf32, #tpu.memory_space<vmem_shared>>
      tpu.enqueue_dma source(%dma_start3A_67 : memref<125x64xf32, #tpu.memory_space<vmem_shared>>) target(%dma_start3A_65 : memref<125x64xf32, #tpu.memory_space<hbm>>) target_semaphore(%run_scoped3A : memref<!tpu.dma_semaphore, #tpu.memory_space<semaphore_mem>>)
      %dma_wait3A = arith.constant 0 : i32
      %dma_wait3A_68 = tpu.memref_slice %arg7[%arg0, %add3A_47, %dma_wait3A] : memref<2x10000x64xf32, #tpu.memory_space<hbm>> -> memref<1x125x64xf32, #tpu.memory_space<hbm>>
      %dma_wait3A_69 = tpu.memref_squeeze %dma_wait3A_68 : memref<1x125x64xf32, #tpu.memory_space<hbm>> -> memref<125x64xf32, #tpu.memory_space<hbm>>
      %dma_wait3A_70 = arith.constant 0 : i32
      %dma_wait3A_71 = tpu.memref_slice %arg18[%add3A_47, %dma_wait3A_70] : memref<10000x64xf32, #tpu.memory_space<vmem_shared>> -> memref<125x64xf32, #tpu.memory_space<vmem_shared>>
      tpu.wait_dma2 semaphore(%run_scoped3A : memref<!tpu.dma_semaphore, #tpu.memory_space<semaphore_mem>>) src(%dma_wait3A_71 : memref<125x64xf32, #tpu.memory_space<vmem_shared>>) dst(%dma_wait3A_69 : memref<125x64xf32, #tpu.memory_space<hbm>>)
      tpu.yield
    }) : () -> ()
    %mul3A_48 = arith.constant 625 : i32
    %mul3A_49 = arith.muli %arg1, %mul3A_48 : i32
    %add3A_50 = arith.constant 125 : i32
    %add3A_51 = arith.addi %mul3A_49, %add3A_50 : i32
    "tpu.region"() ({
      %run_scoped3A = tpu.sem_alloc : memref<!tpu.dma_semaphore, #tpu.memory_space<semaphore_mem>>
      %dma_start3A = arith.constant 0 : i32
      %dma_start3A_64 = tpu.memref_slice %arg7[%arg0, %add3A_51, %dma_start3A] : memref<2x10000x64xf32, #tpu.memory_space<hbm>> -> memref<1x125x64xf32, #tpu.memory_space<hbm>>
      %dma_start3A_65 = tpu.memref_squeeze %dma_start3A_64 : memref<1x125x64xf32, #tpu.memory_space<hbm>> -> memref<125x64xf32, #tpu.memory_space<hbm>>
      %dma_start3A_66 = arith.constant 0 : i32
      %dma_start3A_67 = tpu.memref_slice %arg18[%add3A_51, %dma_start3A_66] : memref<10000x64xf32, #tpu.memory_space<vmem_shared>> -> memref<125x64xf32, #tpu.memory_space<vmem_shared>>
      tpu.enqueue_dma source(%dma_start3A_67 : memref<125x64xf32, #tpu.memory_space<vmem_shared>>) target(%dma_start3A_65 : memref<125x64xf32, #tpu.memory_space<hbm>>) target_semaphore(%run_scoped3A : memref<!tpu.dma_semaphore, #tpu.memory_space<semaphore_mem>>)
      %dma_wait3A = arith.constant 0 : i32
      %dma_wait3A_68 = tpu.memref_slice %arg7[%arg0, %add3A_51, %dma_wait3A] : memref<2x10000x64xf32, #tpu.memory_space<hbm>> -> memref<1x125x64xf32, #tpu.memory_space<hbm>>
      %dma_wait3A_69 = tpu.memref_squeeze %dma_wait3A_68 : memref<1x125x64xf32, #tpu.memory_space<hbm>> -> memref<125x64xf32, #tpu.memory_space<hbm>>
      %dma_wait3A_70 = arith.constant 0 : i32
      %dma_wait3A_71 = tpu.memref_slice %arg18[%add3A_51, %dma_wait3A_70] : memref<10000x64xf32, #tpu.memory_space<vmem_shared>> -> memref<125x64xf32, #tpu.memory_space<vmem_shared>>
      tpu.wait_dma2 semaphore(%run_scoped3A : memref<!tpu.dma_semaphore, #tpu.memory_space<semaphore_mem>>) src(%dma_wait3A_71 : memref<125x64xf32, #tpu.memory_space<vmem_shared>>) dst(%dma_wait3A_69 : memref<125x64xf32, #tpu.memory_space<hbm>>)
      tpu.yield
    }) : () -> ()
    %mul3A_52 = arith.constant 625 : i32
    %mul3A_53 = arith.muli %arg1, %mul3A_52 : i32
    %add3A_54 = arith.constant 250 : i32
    %add3A_55 = arith.addi %mul3A_53, %add3A_54 : i32
    "tpu.region"() ({
      %run_scoped3A = tpu.sem_alloc : memref<!tpu.dma_semaphore, #tpu.memory_space<semaphore_mem>>
      %dma_start3A = arith.constant 0 : i32
      %dma_start3A_64 = tpu.memref_slice %arg7[%arg0, %add3A_55, %dma_start3A] : memref<2x10000x64xf32, #tpu.memory_space<hbm>> -> memref<1x125x64xf32, #tpu.memory_space<hbm>>
      %dma_start3A_65 = tpu.memref_squeeze %dma_start3A_64 : memref<1x125x64xf32, #tpu.memory_space<hbm>> -> memref<125x64xf32, #tpu.memory_space<hbm>>
      %dma_start3A_66 = arith.constant 0 : i32
      %dma_start3A_67 = tpu.memref_slice %arg18[%add3A_55, %dma_start3A_66] : memref<10000x64xf32, #tpu.memory_space<vmem_shared>> -> memref<125x64xf32, #tpu.memory_space<vmem_shared>>
      tpu.enqueue_dma source(%dma_start3A_67 : memref<125x64xf32, #tpu.memory_space<vmem_shared>>) target(%dma_start3A_65 : memref<125x64xf32, #tpu.memory_space<hbm>>) target_semaphore(%run_scoped3A : memref<!tpu.dma_semaphore, #tpu.memory_space<semaphore_mem>>)
      %dma_wait3A = arith.constant 0 : i32
      %dma_wait3A_68 = tpu.memref_slice %arg7[%arg0, %add3A_55, %dma_wait3A] : memref<2x10000x64xf32, #tpu.memory_space<hbm>> -> memref<1x125x64xf32, #tpu.memory_space<hbm>>
      %dma_wait3A_69 = tpu.memref_squeeze %dma_wait3A_68 : memref<1x125x64xf32, #tpu.memory_space<hbm>> -> memref<125x64xf32, #tpu.memory_space<hbm>>
      %dma_wait3A_70 = arith.constant 0 : i32
      %dma_wait3A_71 = tpu.memref_slice %arg18[%add3A_55, %dma_wait3A_70] : memref<10000x64xf32, #tpu.memory_space<vmem_shared>> -> memref<125x64xf32, #tpu.memory_space<vmem_shared>>
      tpu.wait_dma2 semaphore(%run_scoped3A : memref<!tpu.dma_semaphore, #tpu.memory_space<semaphore_mem>>) src(%dma_wait3A_71 : memref<125x64xf32, #tpu.memory_space<vmem_shared>>) dst(%dma_wait3A_69 : memref<125x64xf32, #tpu.memory_space<hbm>>)
      tpu.yield
    }) : () -> ()
    %mul3A_56 = arith.constant 625 : i32
    %mul3A_57 = arith.muli %arg1, %mul3A_56 : i32
    %add3A_58 = arith.constant 375 : i32
    %add3A_59 = arith.addi %mul3A_57, %add3A_58 : i32
    "tpu.region"() ({
      %run_scoped3A = tpu.sem_alloc : memref<!tpu.dma_semaphore, #tpu.memory_space<semaphore_mem>>
      %dma_start3A = arith.constant 0 : i32
      %dma_start3A_64 = tpu.memref_slice %arg7[%arg0, %add3A_59, %dma_start3A] : memref<2x10000x64xf32, #tpu.memory_space<hbm>> -> memref<1x125x64xf32, #tpu.memory_space<hbm>>
      %dma_start3A_65 = tpu.memref_squeeze %dma_start3A_64 : memref<1x125x64xf32, #tpu.memory_space<hbm>> -> memref<125x64xf32, #tpu.memory_space<hbm>>
      %dma_start3A_66 = arith.constant 0 : i32
      %dma_start3A_67 = tpu.memref_slice %arg18[%add3A_59, %dma_start3A_66] : memref<10000x64xf32, #tpu.memory_space<vmem_shared>> -> memref<125x64xf32, #tpu.memory_space<vmem_shared>>
      tpu.enqueue_dma source(%dma_start3A_67 : memref<125x64xf32, #tpu.memory_space<vmem_shared>>) target(%dma_start3A_65 : memref<125x64xf32, #tpu.memory_space<hbm>>) target_semaphore(%run_scoped3A : memref<!tpu.dma_semaphore, #tpu.memory_space<semaphore_mem>>)
      %dma_wait3A = arith.constant 0 : i32
      %dma_wait3A_68 = tpu.memref_slice %arg7[%arg0, %add3A_59, %dma_wait3A] : memref<2x10000x64xf32, #tpu.memory_space<hbm>> -> memref<1x125x64xf32, #tpu.memory_space<hbm>>
      %dma_wait3A_69 = tpu.memref_squeeze %dma_wait3A_68 : memref<1x125x64xf32, #tpu.memory_space<hbm>> -> memref<125x64xf32, #tpu.memory_space<hbm>>
      %dma_wait3A_70 = arith.constant 0 : i32
      %dma_wait3A_71 = tpu.memref_slice %arg18[%add3A_59, %dma_wait3A_70] : memref<10000x64xf32, #tpu.memory_space<vmem_shared>> -> memref<125x64xf32, #tpu.memory_space<vmem_shared>>
      tpu.wait_dma2 semaphore(%run_scoped3A : memref<!tpu.dma_semaphore, #tpu.memory_space<semaphore_mem>>) src(%dma_wait3A_71 : memref<125x64xf32, #tpu.memory_space<vmem_shared>>) dst(%dma_wait3A_69 : memref<125x64xf32, #tpu.memory_space<hbm>>)
      tpu.yield
    }) : () -> ()
    %mul3A_60 = arith.constant 625 : i32
    %mul3A_61 = arith.muli %arg1, %mul3A_60 : i32
    %add3A_62 = arith.constant 500 : i32
    %add3A_63 = arith.addi %mul3A_61, %add3A_62 : i32
    "tpu.region"() ({
      %run_scoped3A = tpu.sem_alloc : memref<!tpu.dma_semaphore, #tpu.memory_space<semaphore_mem>>
      %dma_start3A = arith.constant 0 : i32
      %dma_start3A_64 = tpu.memref_slice %arg7[%arg0, %add3A_63, %dma_start3A] : memref<2x10000x64xf32, #tpu.memory_space<hbm>> -> memref<1x125x64xf32, #tpu.memory_space<hbm>>
      %dma_start3A_65 = tpu.memref_squeeze %dma_start3A_64 : memref<1x125x64xf32, #tpu.memory_space<hbm>> -> memref<125x64xf32, #tpu.memory_space<hbm>>
      %dma_start3A_66 = arith.constant 0 : i32
      %dma_start3A_67 = tpu.memref_slice %arg18[%add3A_63, %dma_start3A_66] : memref<10000x64xf32, #tpu.memory_space<vmem_shared>> -> memref<125x64xf32, #tpu.memory_space<vmem_shared>>
      tpu.enqueue_dma source(%dma_start3A_67 : memref<125x64xf32, #tpu.memory_space<vmem_shared>>) target(%dma_start3A_65 : memref<125x64xf32, #tpu.memory_space<hbm>>) target_semaphore(%run_scoped3A : memref<!tpu.dma_semaphore, #tpu.memory_space<semaphore_mem>>)
      %dma_wait3A = arith.constant 0 : i32
      %dma_wait3A_68 = tpu.memref_slice %arg7[%arg0, %add3A_63, %dma_wait3A] : memref<2x10000x64xf32, #tpu.memory_space<hbm>> -> memref<1x125x64xf32, #tpu.memory_space<hbm>>
      %dma_wait3A_69 = tpu.memref_squeeze %dma_wait3A_68 : memref<1x125x64xf32, #tpu.memory_space<hbm>> -> memref<125x64xf32, #tpu.memory_space<hbm>>
      %dma_wait3A_70 = arith.constant 0 : i32
      %dma_wait3A_71 = tpu.memref_slice %arg18[%add3A_63, %dma_wait3A_70] : memref<10000x64xf32, #tpu.memory_space<vmem_shared>> -> memref<125x64xf32, #tpu.memory_space<vmem_shared>>
      tpu.wait_dma2 semaphore(%run_scoped3A : memref<!tpu.dma_semaphore, #tpu.memory_space<semaphore_mem>>) src(%dma_wait3A_71 : memref<125x64xf32, #tpu.memory_space<vmem_shared>>) dst(%dma_wait3A_69 : memref<125x64xf32, #tpu.memory_space<hbm>>)
      tpu.yield
    }) : () -> ()
    return
  }
}

module attributes {stable_mosaic.version = 14 : i64} {
  func.func @_feat_body(%arg0: i32, %arg1: memref<1000x128xf32, #tpu.memory_space<vmem>>, %arg2: memref<128x128xf32, #tpu.memory_space<vmem>>, %arg3: memref<1x128xf32, #tpu.memory_space<vmem>>, %arg4: memref<1x128xf32, #tpu.memory_space<vmem>>, %arg5: memref<2x1000x64xf32, #tpu.memory_space<vmem>>, %arg6: memref<1000x1xf32, #tpu.memory_space<vmem>>, %arg7: memref<1000x1xf32, #tpu.memory_space<vmem>>) attributes {dimension_semantics = [#tpu.dimension_semantics<arbitrary>], iteration_bounds = array<i64: 10>, scalar_prefetch = 0 : i64, scratch_operands = 0 : i64, tpu.core_type = #tpu.core_type<tc>, window_params = [{transform_indices = @transform_0, window_bounds = array<i64: 1000, 128>}, {pipeline_mode = #tpu.pipeline_mode<synchronous>, transform_indices = @transform_1, window_bounds = array<i64: 128, 128>}, {pipeline_mode = #tpu.pipeline_mode<synchronous>, transform_indices = @transform_2, window_bounds = array<i64: 1, 128>}, {pipeline_mode = #tpu.pipeline_mode<synchronous>, transform_indices = @transform_3, window_bounds = array<i64: 1, 128>}, {transform_indices = @transform_4, window_bounds = array<i64: 2, 1000, 64>}, {transform_indices = @transform_5, window_bounds = array<i64: 1000, 1>}, {transform_indices = @transform_6, window_bounds = array<i64: 1000, 1>}]} {
    %get3A = arith.constant 0 : index
    %get3A_0 = arith.constant 0 : index
    %get3A_1 = vector.load %arg1[%get3A, %get3A_0] : memref<1000x128xf32, #tpu.memory_space<vmem>>, vector<1000x128xf32>
    %get3A_2 = arith.constant 0 : index
    %get3A_3 = arith.constant 0 : index
    %get3A_4 = vector.load %arg2[%get3A_2, %get3A_3] : memref<128x128xf32, #tpu.memory_space<vmem>>, vector<128x128xf32>
    %dot_general3A = arith.constant dense<0.000000e+00> : vector<1000x128xf32>
    %dot_general3A_5 = tpu.matmul %get3A_1, %get3A_4, %dot_general3A {dimension_numbers = #tpu.dot_dimension_numbers<[1], [0], [0], [1], [0, 0, 1, 1], [], []>, transpose_lhs_hint = false} : vector<1000x128xf32>, vector<128x128xf32>, vector<1000x128xf32> -> vector<1000x128xf32>
    %slice3A = vector.extract_strided_slice %dot_general3A_5 {offsets = [0, 0], sizes = [1000, 64], strides = [1, 1]} : vector<1000x128xf32> to vector<1000x64xf32>
    %swap3A = arith.constant 0 : index
    %swap3A_6 = arith.constant 0 : index
    %swap3A_7 = arith.constant 0 : index
    %swap3A_8 = vector.load %arg5[%swap3A, %swap3A_6, %swap3A_7] : memref<2x1000x64xf32, #tpu.memory_space<vmem>>, vector<1x1000x64xf32>
    %swap3A_9 = vector.shape_cast %swap3A_8 : vector<1x1000x64xf32> to vector<1000x64xf32>
    %swap3A_10 = vector.shape_cast %slice3A : vector<1000x64xf32> to vector<1x1000x64xf32>
    tpu.vector_store %arg5[%swap3A, %swap3A_6, %swap3A_7], %swap3A_10 {strides = array<i32>} : memref<2x1000x64xf32, #tpu.memory_space<vmem>>, vector<1x1000x64xf32>,
    %slice3A_11 = vector.extract_strided_slice %dot_general3A_5 {offsets = [0, 64], sizes = [1000, 64], strides = [1, 1]} : vector<1000x128xf32> to vector<1000x64xf32>
    %swap3A_12 = arith.constant 1 : index
    %swap3A_13 = arith.constant 0 : index
    %swap3A_14 = arith.constant 0 : index
    %swap3A_15 = vector.load %arg5[%swap3A_12, %swap3A_13, %swap3A_14] : memref<2x1000x64xf32, #tpu.memory_space<vmem>>, vector<1x1000x64xf32>
    %swap3A_16 = vector.shape_cast %swap3A_15 : vector<1x1000x64xf32> to vector<1000x64xf32>
    %swap3A_17 = vector.shape_cast %slice3A_11 : vector<1000x64xf32> to vector<1x1000x64xf32>
    tpu.vector_store %arg5[%swap3A_12, %swap3A_13, %swap3A_14], %swap3A_17 {strides = array<i32>} : memref<2x1000x64xf32, #tpu.memory_space<vmem>>, vector<1x1000x64xf32>,
    %get3A_18 = arith.constant 0 : index
    %get3A_19 = arith.constant 0 : index
    %get3A_20 = vector.load %arg3[%get3A_18, %get3A_19] : memref<1x128xf32, #tpu.memory_space<vmem>>, vector<1x128xf32>
    %mul3A = vector.broadcast %get3A_20 : vector<1x128xf32> to vector<1000x128xf32>
    %mul3A_21 = arith.mulf %dot_general3A_5, %mul3A : vector<1000x128xf32>
    %reduce_sum3A = arith.constant dense<0.000000e+00> : vector<1000xf32>
    %reduce_sum3A_22 = vector.multi_reduction <add>, %mul3A_21, %reduce_sum3A [1] : vector<1000x128xf32> to vector<1000xf32>
    %broadcast_in_dim3A = vector.shape_cast %reduce_sum3A_22 : vector<1000xf32> to vector<1000x1xf32>
    %swap3A_23 = arith.constant 0 : index
    %swap3A_24 = arith.constant 0 : index
    %swap3A_25 = vector.load %arg6[%swap3A_23, %swap3A_24] : memref<1000x1xf32, #tpu.memory_space<vmem>>, vector<1000x1xf32>
    tpu.vector_store %arg6[%swap3A_23, %swap3A_24], %broadcast_in_dim3A {strides = array<i32>} : memref<1000x1xf32, #tpu.memory_space<vmem>>, vector<1000x1xf32>,
    %get3A_26 = arith.constant 0 : index
    %get3A_27 = arith.constant 0 : index
    %get3A_28 = vector.load %arg4[%get3A_26, %get3A_27] : memref<1x128xf32, #tpu.memory_space<vmem>>, vector<1x128xf32>
    %mul3A_29 = vector.broadcast %get3A_28 : vector<1x128xf32> to vector<1000x128xf32>
    %mul3A_30 = arith.mulf %dot_general3A_5, %mul3A_29 : vector<1000x128xf32>
    %reduce_sum3A_31 = arith.constant dense<0.000000e+00> : vector<1000xf32>
    %reduce_sum3A_32 = vector.multi_reduction <add>, %mul3A_30, %reduce_sum3A_31 [1] : vector<1000x128xf32> to vector<1000xf32>
    %broadcast_in_dim3A_33 = vector.shape_cast %reduce_sum3A_32 : vector<1000xf32> to vector<1000x1xf32>
    %swap3A_34 = arith.constant 0 : index
    %swap3A_35 = arith.constant 0 : index
    %swap3A_36 = vector.load %arg7[%swap3A_34, %swap3A_35] : memref<1000x1xf32, #tpu.memory_space<vmem>>, vector<1000x1xf32>
    tpu.vector_store %arg7[%swap3A_34, %swap3A_35], %broadcast_in_dim3A_33 {strides = array<i32>} : memref<1000x1xf32, #tpu.memory_space<vmem>>, vector<1000x1xf32>,
    return
  }
  func.func @transform_0(%arg0: i32) -> (i32, i32) {
    %c0_i32 = arith.constant 0 : i32
    %c0_i32_0 = arith.constant 0 : i32
    return %arg0, %c0_i32 : i32, i32
  }
  func.func @transform_1(%arg0: i32) -> (i32, i32) {
    %c0_i32 = arith.constant 0 : i32
    %c0_i32_0 = arith.constant 0 : i32
    %c0_i32_1 = arith.constant 0 : i32
    return %c0_i32, %c0_i32_0 : i32, i32
  }
  func.func @transform_2(%arg0: i32) -> (i32, i32) {
    %c0_i32 = arith.constant 0 : i32
    %c0_i32_0 = arith.constant 0 : i32
    %c0_i32_1 = arith.constant 0 : i32
    return %c0_i32, %c0_i32_0 : i32, i32
  }
  func.func @transform_3(%arg0: i32) -> (i32, i32) {
    %c0_i32 = arith.constant 0 : i32
    %c0_i32_0 = arith.constant 0 : i32
    %c0_i32_1 = arith.constant 0 : i32
    return %c0_i32, %c0_i32_0 : i32, i32
  }
  func.func @transform_4(%arg0: i32) -> (i32, i32, i32) {
    %c0_i32 = arith.constant 0 : i32
    %c0_i32_0 = arith.constant 0 : i32
    %c0_i32_1 = arith.constant 0 : i32
    return %c0_i32, %arg0, %c0_i32_0 : i32, i32, i32
  }
  func.func @transform_5(%arg0: i32) -> (i32, i32) {
    %c0_i32 = arith.constant 0 : i32
    %c0_i32_0 = arith.constant 0 : i32
    return %arg0, %c0_i32 : i32, i32
  }
  func.func @transform_6(%arg0: i32) -> (i32, i32) {
    %c0_i32 = arith.constant 0 : i32
    %c0_i32_0 = arith.constant 0 : i32
    return %arg0, %c0_i32 : i32, i32
  }
}

module attributes {stable_mosaic.version = 14 : i64} {
  func.func @_final_body(%arg0: memref<2x10000x64xf32, #tpu.memory_space<vmem>>, %arg1: memref<16x10000xf32, #tpu.memory_space<vmem>>, %arg2: memref<1x128xf32, #tpu.memory_space<vmem>>, %arg3: memref<128x16xf32, #tpu.memory_space<vmem>>, %arg4: memref<1x16xf32, #tpu.memory_space<vmem>>, %arg5: memref<10000x16xf32, #tpu.memory_space<vmem>>) attributes {dimension_semantics = [], scalar_prefetch = 0 : i64, scratch_operands = 0 : i64, tpu.core_type = #tpu.core_type<tc>} {
    %get3A = arith.constant 0 : index
    %get3A_0 = arith.constant 0 : index
    %get3A_1 = arith.constant 0 : index
    %get3A_2 = vector.load %arg0[%get3A, %get3A_0, %get3A_1] : memref<2x10000x64xf32, #tpu.memory_space<vmem>>, vector<1x10000x64xf32>
    %get3A_3 = vector.shape_cast %get3A_2 : vector<1x10000x64xf32> to vector<10000x64xf32>
    %get3A_4 = arith.constant 1 : index
    %get3A_5 = arith.constant 0 : index
    %get3A_6 = arith.constant 0 : index
    %get3A_7 = vector.load %arg0[%get3A_4, %get3A_5, %get3A_6] : memref<2x10000x64xf32, #tpu.memory_space<vmem>>, vector<1x10000x64xf32>
    %get3A_8 = vector.shape_cast %get3A_7 : vector<1x10000x64xf32> to vector<10000x64xf32>
    %concatenate3A = tpu.concatenate %get3A_3, %get3A_8 in 1 : vector<10000x64xf32>, vector<10000x64xf32> -> vector<10000x128xf32>
    %get3A_9 = arith.constant 0 : index
    %get3A_10 = arith.constant 0 : index
    %get3A_11 = vector.load %arg1[%get3A_9, %get3A_10] : memref<16x10000xf32, #tpu.memory_space<vmem>>, vector<16x10000xf32>
    %reduce_sum3A = arith.constant dense<0.000000e+00> : vector<10000xf32>
    %reduce_sum3A_12 = vector.multi_reduction <add>, %get3A_11, %reduce_sum3A [0] : vector<16x10000xf32> to vector<10000xf32>
    %broadcast_in_dim3A = vector.shape_cast %reduce_sum3A_12 : vector<10000xf32> to vector<10000x1xf32>
    %max3A = arith.constant 9.99999971E-10 : f32
    %max3A_13 = vector.broadcast %max3A : f32 to vector<10000x1xf32>
    %max3A_14 = arith.maximumf %broadcast_in_dim3A, %max3A_13 : vector<10000x1xf32>
    %div3A = vector.broadcast %max3A_14 : vector<10000x1xf32> to vector<10000x128xf32>
    %div3A_15 = arith.divf %concatenate3A, %div3A : vector<10000x128xf32>
    %get3A_16 = arith.constant 0 : index
    %get3A_17 = arith.constant 0 : index
    %get3A_18 = vector.load %arg2[%get3A_16, %get3A_17] : memref<1x128xf32, #tpu.memory_space<vmem>>, vector<1x128xf32>
    %add3A = vector.broadcast %get3A_18 : vector<1x128xf32> to vector<10000x128xf32>
    %add3A_19 = arith.addf %div3A_15, %add3A : vector<10000x128xf32>
    %max3A_20 = arith.constant 0.000000e+00 : f32
    %max3A_21 = vector.broadcast %max3A_20 : f32 to vector<10000x128xf32>
    %max3A_22 = arith.maximumf %add3A_19, %max3A_21 : vector<10000x128xf32>
    %get3A_23 = arith.constant 0 : index
    %get3A_24 = arith.constant 0 : index
    %get3A_25 = vector.load %arg3[%get3A_23, %get3A_24] : memref<128x16xf32, #tpu.memory_space<vmem>>, vector<128x16xf32>
    %dot_general3A = arith.constant dense<0.000000e+00> : vector<10000x16xf32>
    %dot_general3A_26 = tpu.matmul %max3A_22, %get3A_25, %dot_general3A {dimension_numbers = #tpu.dot_dimension_numbers<[1], [0], [0], [1], [0, 0, 1, 1], [], []>, transpose_lhs_hint = false} : vector<10000x128xf32>, vector<128x16xf32>, vector<10000x16xf32> -> vector<10000x16xf32>
    %get3A_27 = arith.constant 0 : index
    %get3A_28 = arith.constant 0 : index
    %get3A_29 = vector.load %arg4[%get3A_27, %get3A_28] : memref<1x16xf32, #tpu.memory_space<vmem>>, vector<1x16xf32>
    %add3A_30 = vector.broadcast %get3A_29 : vector<1x16xf32> to vector<10000x16xf32>
    %add3A_31 = arith.addf %dot_general3A_26, %add3A_30 : vector<10000x16xf32>
    %logistic3A = arith.negf %add3A_31 : vector<10000x16xf32>
    %logistic3A_32 = math.exp %logistic3A : vector<10000x16xf32>
    %logistic3A_33 = arith.constant 1.000000e+00 : f32
    %logistic3A_34 = vector.broadcast %logistic3A_33 : f32 to vector<10000x16xf32>
    %logistic3A_35 = arith.addf %logistic3A_34, %logistic3A_32 : vector<10000x16xf32>
    %logistic3A_36 = arith.divf %logistic3A_34, %logistic3A_35 : vector<10000x16xf32>
    %swap3A = arith.constant 0 : index
    %swap3A_37 = arith.constant 0 : index
    %swap3A_38 = vector.load %arg5[%swap3A, %swap3A_37] : memref<10000x16xf32, #tpu.memory_space<vmem>>, vector<10000x16xf32>
    tpu.vector_store %arg5[%swap3A, %swap3A_37], %logistic3A_36 {strides = array<i32>} : memref<10000x16xf32, #tpu.memory_space<vmem>>, vector<10000x16xf32>,
    return
  }
}

</mosaic_0001>

<sc_bundles>
// kernel: kernel.5.cloned.1.call-start
scs
__scs_entry_jumppad:
0x0: {  	(pc) =	sbr.rel $0x88, $3  }
0x1: {  	(tag) =	ssettag $0x0;
	lr =	simm.s32 $0x1  }
0x2: {  	[smem:$0x3F99] =	sst lr;
	_ =	strace $0xD0000000  }
0x3: {  	_ = 	snop  }
0x4: {  	_ = 	snop  }
0x5: {  	_ = 	snop  }
0x6: {  	_ = 	snop  }
0x7: {  	_ = 	snop  }
__scs_overlays_trampoline_lowered:
0x8: {  	[smem:$0x3FA8] =	sst s0  }
0x9: {  	[smem:$0x3FA9] =	sst s1  }
0xa: {  	[smem:$0x3FAA] =	sst s2  }
0xb: {  	[smem:$0x3FAB] =	sst s3  }
0xc: {  	[smem:$0x3FAC] =	sst s4  }
0xd: {  	[smem:$0x3FAD] =	sst s5  }
0xe: {  	[smem:$0x3FAE] =	sst s6  }
0xf: {  	[smem:$0x3FAF] =	sst s7  }
0x10: {  	[smem:$0x3FB0] =	sst s8  }
0x11: {  	[smem:$0x3FB1] =	sst s9;
	s0 =	simm.s32 @!p0 $0x0  }
0x12: {  	s1 =	sld [smem:$0x3F97];
	s0 =	simm.s32 @p0 $0x1  }
0x13: {  	[smem:$0x3FB2] =	sst s0;
	s0 =	simm.s32 @!p1 $0x0  }
0x14: {  	s2 =	sld [smem:$0x3F96];
	s0 =	simm.s32 @p1 $0x1  }
0x15: {  	[smem:$0x3FB3] =	sst s0;
	s0 =	simm.s32 @!p2 $0x0  }
0x16: {  	s3 =	sld [smem:$0x3FDB];
	s0 =	simm.s32 @p2 $0x1  }
0x17: {  	s4 =	simm.s32 $0x1BF5;
	[smem:$0x3FB5] =	sst s0  }
0x18: {  	s0 =	sld [smem:$0x3F98];
	_ =	swait.ge [sflag:s4], $0x0  }
0x19: {  	s7 =	sld [smem:$0x3F99]  }
0x1a: {  	s8 =	sadd.s32 $0xFFFFE003, lr  }
0x1b: {  	s9 =	sadd.s32 $0xFFFFFEF7, lr;
	s5 =	simm.s32 $0xFFFFFFFF;
	p2 =	slt.u32 s8, $0xFFFFF086  }
0x1c: {  	p1 =	slt.u32 s9, $0xF7A;
	s5 =	simm.s32 @!p2 $0x0  }
0x1d: {  	s5 =	simm.s32 @p1 $0x1;
	p0 =	seq.s32 s7, s2  }
0x1e: {  	s7 =	smul.u32 @!p0 $0xF7A, s2;
	p2 =	seq.s32 @!p0 s5, $0x0  }
0x1f: {  	s9 =	smul.u32 $0xF7A, s1;
	s8 =	simm.s32 @!p0 $0x1BF5;
	p2 =	por !p2, p0  }
0x20: {  	[sflag:s8] =	ssyncset.s32 @!p0 $0xFFFFF086;
	s6 =	sadd.s32 @!p0 s3, s7;
	s7 =	simm.s32 @!p0 $0x108  }
0x21: {  	s3 =	sadd.s32 s3, s9;
	s6 =	sadd.s32 @!p0 $0x88, s6;
	s7 =	simm.s32 @p2 $0x1082  }
0x22: {  	[simem:s7], [sflag:s8] =	dma.local @!p0 [hbm:s6], $0xF7A  }
0x23: {  	s9 =	sor.u32 $0xD0000000, s2;
	s6 =	simm.s32 $0x108;
	_ =	swait.ge @!p0 [sflag:s8], $0x0  }
0x24: {  	s3 =	sadd.s32 $0x88, s3;
	s6 =	simm.s32 @!p1 $0x1082;
	[sflag:s4] =	ssyncset.s32 $0xFFFFF086  }
0x25: {  	[simem:s6], [sflag:s4] =	dma.local [hbm:s3], $0xF7A  }
0x26: {  	[smem:$0x3F99] =	sst s1;
	(tag) =	ssettag s2;
	_ =	strace s9  }
0x27: {  	s1 =	sld [smem:$0x3FA9]  }
0x28: {  	s2 =	sld [smem:$0x3FAA]  }
0x29: {  	s4 =	sld [smem:$0x3FAC]  }
0x2a: {  	p0 =	seq.s32 s5, $0x0;
	s5 =	sld [smem:$0x3FAD]  }
0x2b: {  	s6 =	sld [smem:$0x3FAE]  }
0x2c: {  	s7 =	sld [smem:$0x3FAF]  }
0x2d: {  	s3 =	simm.s32 $0x108;
	s8 =	sld [smem:$0x3FB0]  }
0x2e: {  	s3 =	simm.s32 @!p0 $0x1082;
	s9 =	sld [smem:$0x3FB1]  }
0x2f: {  	lr =	sadd.s32 s0, s3;
	s0 =	sld [smem:$0x3FA8]  }
0x30: {  	s3 =	sld [smem:$0x3FAB]  }
0x31: {  	[smem:$0x3FB4] =	sst s10  }
0x32: {  	s10 =	sld [smem:$0x3FB2];
	_ =	sdelay $0x3  }
0x33: {  	p0 =	seq.s32 s10, $0x1;
	s10 =	sld [smem:$0x3FB4];
	_ =	sdelay $0x3  }
0x34: {  	[smem:$0x3FB4] =	sst s10  }
0x35: {  	s10 =	sld [smem:$0x3FB3];
	_ =	sdelay $0x3  }
0x36: {  	p1 =	seq.s32 s10, $0x1;
	s10 =	sld [smem:$0x3FB4];
	_ =	sdelay $0x3  }
0x37: {  	[smem:$0x3FB4] =	sst s10  }
0x38: {  	s10 =	sld [smem:$0x3FB5]  }
0x39: {  	_ = 	snop;
	(pc) =	sbr.ind lr, $3  }
0x3a: {  	_ = 	snop  }
0x3b: {  	_ = 	snop  }
0x3c: {  	p2 =	seq.s32 s10, $0x1;
	s10 =	sld [smem:$0x3FB4]  }
0x3d: {  	_ =	shalt  }
0x3e: {  	_ =	shalt  }
0x3f: {  	_ =	shalt  }
0x40: {  	_ =	shalt  }
0x41: {  	_ =	shalt  }
0x42: {  	_ =	shalt  }
0x43: {  	_ =	shalt  }
0x44: {  	_ =	shalt  }
0x45: {  	_ =	shalt  }
0x46: {  	_ =	shalt  }
0x47: {  	_ =	shalt  }
0x48: {  	_ =	shalt  }
0x49: {  	_ =	shalt  }
0x4a: {  	_ =	shalt  }
0x4b: {  	_ =	shalt  }
0x4c: {  	_ =	shalt  }
0x4d: {  	_ =	shalt  }
0x4e: {  	_ =	shalt  }
0x4f: {  	_ =	shalt  }
0x50: {  	_ =	shalt  }
0x51: {  	_ =	shalt  }
0x52: {  	_ =	shalt  }
0x53: {  	_ =	shalt  }
0x54: {  	_ =	shalt  }
0x55: {  	_ =	shalt  }
0x56: {  	_ =	shalt  }
0x57: {  	_ =	shalt  }
0x58: {  	_ =	shalt  }
0x59: {  	_ =	shalt  }
0x5a: {  	_ =	shalt  }
0x5b: {  	_ =	shalt  }
0x5c: {  	_ =	shalt  }
0x5d: {  	_ =	shalt  }
0x5e: {  	_ =	shalt  }
0x5f: {  	_ =	shalt  }
0x60: {  	_ =	shalt  }
0x61: {  	_ =	shalt  }
0x62: {  	_ =	shalt  }
0x63: {  	_ =	shalt  }
0x64: {  	_ =	shalt  }
0x65: {  	_ =	shalt  }
0x66: {  	_ =	shalt  }
0x67: {  	_ =	shalt  }
0x68: {  	_ =	shalt  }
0x69: {  	_ =	shalt  }
0x6a: {  	_ =	shalt  }
0x6b: {  	_ =	shalt  }
0x6c: {  	_ =	shalt  }
0x6d: {  	_ =	shalt  }
0x6e: {  	_ =	shalt  }
0x6f: {  	_ =	shalt  }
0x70: {  	_ =	shalt  }
0x71: {  	_ =	shalt  }
0x72: {  	_ =	shalt  }
0x73: {  	_ =	shalt  }
0x74: {  	_ =	shalt  }
0x75: {  	_ =	shalt  }
0x76: {  	_ =	shalt  }
0x77: {  	_ =	shalt  }
0x78: {  	_ =	shalt  }
0x79: {  	_ =	shalt  }
0x7a: {  	_ =	shalt  }
0x7b: {  	_ =	shalt  }
0x7c: {  	_ =	shalt  }
0x7d: {  	_ =	shalt  }
0x7e: {  	_ =	shalt  }
0x7f: {  	_ =	shalt  }
0x80: {  	_ =	shalt  }
0x81: {  	_ =	shalt  }
0x82: {  	_ =	shalt  }
0x83: {  	_ =	shalt  }
0x84: {  	_ =	shalt  }
0x85: {  	_ =	shalt  }
0x86: {  	_ =	shalt  }
0x87: {  	_ =	shalt  }
.Lfunc_end0:
.L_simem_size_0:
called_computation_lowered:
.L_overlay_start_0:
0x88: {  	s2 =	sld [smem:$0x3FD9]  }
0x89: {  	s3 =	sld [smem:$0x3FFE];
	_ =	sdelay $0x1  }
0x8a: {  	s1 =	srdreg.scid  }
0x8b: {  	s0 =	sand.u32 $0x1, s1  }
0x8c: {  	s17 =	sshll.u32 s0, $0xA;
	s2 =	sadd.s32 s3, s2  }
0x8d: {  	s2 =	sadd.s32 s2, s17  }
0x8e: {  	[smem:$0x3FC0] =	sst s2  }
0x8f: {  	_ = 	snop  }
0x90: {  	s2 =	sld [smem:$0x3FD0];
	(tm) =	ssettm $0x1  }
0x91: {  	s18 =	sld [smem:$0x3FFB];
	_ =	sdelay $0x3  }
0x92: {  	_ =	strace s18  }
0x93: {  	s3 =	sld [smem:$0x3FFC];
	_ =	sdelay $0x3  }
0x94: {  	_ =	strace s3  }
0x95: {  	s3 =	sld [smem:$0x3FFD];
	_ =	sdelay $0x3  }
0x96: {  	_ =	strace s3  }
0x97: {  	_ =	strace $0x8FFFFFFF  }
0x98: {  	s19 =	sld [smem:$0x3FDB];
	_ =	sdelay $0x1  }
0x99: {  	s4 =	simm.s32 $_scs_section_size  }
0x9a: {  	s5 =	simm.s32 $_size__tile_overlayer_lowered;
	s6 =	simm.s32 $_tile_overlayer_lowered  }
0x9b: {  	s22 =	simm.s32 $0x1BFF;
	s21 =	sshll.u32 s6, $0x1;
	s3 =	sadd.s32 s4, s19  }
0x9c: {  	s7 =	simm.s32 $0x0;
	s20 =	sshll.u32 s5, $0x1;
	s5 =	sadd.s32 s21, s3  }
0x9d: {  	[timem:s7], [sflag:s22] =	dma.local [hbm:s5], s20  }
0x9e: {  	_ =	swait.ge [sflag:s22], s20  }
0x9f: {  	s4 =	ssub.s32 $0x0, s20;
	[sflag:s22] =	ssyncset.done $0x0  }
0xa0: {  	[sflag:s22] =	ssyncadd.s32 s4;
	_ =	sdelay $0x1  }
0xa1: {  	s23 =	simm.s32 $0x1B8B  }
0xa2: {  	_ =	swait.ge [sflag:s23], $0x1  }
0xa3: {  	[sflag:s23] =	ssyncset.done $0x0  }
0xa4: {  	s25 =	simm.s32 $0x1B8E;
	s24 =	sld [smem:$0x3FFE];
	[sflag:s23] =	ssyncadd.s32 $0xFFFFFFFF  }
0xa5: {  	s26 =	simm.s32 $execute0_lowered;
	[smem:$0x3FD2] =	sst s25  }
0xa6: {  	s5 =	sshll.u32 s26, $0x1;
	_ =	strace $0x80000046;
	[dreg:$0x1] =	wrdreg $0xFFFFFFFF  }
0xa7: {  	s28 =	simm.s32 $_size_execute0_lowered;
	s3 =	sadd.s32 s3, s5;
	[dreg:$0x0] =	wrdreg $0x0  }
0xa8: {  	s5 =	sshll.u32 s28, $0x1;
	[dreg:$0x2] =	wrdreg s3  }
0xa9: {  	[dreg:$0x3] =	wrdreg s5  }
0xaa: {  	[dreg:$0x4] =	wrdreg $0xC0  }
0xab: {  	_ =	task [dreg:s7], $0x5FFFF  }
0xac: {  	[dreg:$0x1] =	wrdreg $0xFFFFFFFF  }
0xad: {  	[dreg:$0x0] =	wrdreg $0x60  }
0xae: {  	[dreg:$0x2] =	wrdreg s24  }
0xaf: {  	[dreg:$0x3] =	wrdreg s2  }
0xb0: {  	[dreg:$0x4] =	wrdreg $0x15D700  }
0xb1: {  	[dreg:$0x5] =	wrdreg $0xC1300  }
0xb2: {  	[dreg:$0x6] =	wrdreg $0x9  }
0xb3: {  	_ =	task.clear_ibuf [dreg:s7], $0x7FFFF;
	_ =	strace $0x90000046  }
0xb4: {  	s29 =	simm.s32 $0x9;
	_ =	strace $0x80000048  }
0xb5: {  	_ =	swait.ge [sflag:s29], $0x1  }
0xb6: {  	[sflag:s29] =	ssyncadd.s32 $0xFFFFFFFF  }
0xb7: {  	_ =	strace $0x90000048  }
0xb8: {  	_ =	sfence  }
0xb9: {  	s30 =	sld [smem:$0x0];
	_ =	sdelay $0x2  }
0xba: {  	s31 =	sshll.u32 s1, $0xD;
	s1 =	sshrl.u32 s1, $0x2  }
0xbb: {  	s3 =	sand.u32 $0x4000, s31;
	s1 =	sadd.s32 s1, s30  }
0xbc: {  	s0 =	sor.u32 s3, s0;
	s1 =	sshll.u32 s1, $0x11  }
0xbd: {  	s0 =	sor.u32 s1, s0  }
0xbe: {  	s0 =	sadd.s32 $0x8F2B, s0  }
0xbf: {  	[sflag:s0] =	ssyncadd.remote.s32 $0x1  }
0xc0: {  	_ =	sfence.sel $0xFFFF  }
0xc1: {  	[dreg:$0x0] =	wrdreg $0xFFFFFFFF;
	(pc) =	sbr.abs _section_cstart, $3  }
0xc2: {  	[dreg:$0x1] =	wrdreg $0xFFFFFFFF  }
0xc3: {  	_ =	task.clear_ibuf [dreg:s7], $0x2FFFF;
	_ =	strace $0x9FFFFFFF  }
0xc4: {  	(tm) =	ssettm $0x7FFFFFFF  }
0xc5: {  	_ =	shalt  }
tec
execute0_lowered:
.L_overlay_start_1:
0x0: {  	(tag) =	ssettag $0x1  }
0x1: {  	s0 =	rddreg [dreg:$0x0]  }
0x2: {  	s1 =	rddreg [dreg:$0x1]  }
0x3: {  	s3 =	srdreg.scid;
	s16 =	rddreg [dreg:$0x2]  }
0x4: {  	s2 =	stileid.u32;
	s22 =	rddreg [dreg:$0x3];
	s4 =	simm.s32 $0x0  }
0x5: {  	s30 =	simm.s32 $0x4E20;
	s31 =	simm.s32 $0x80;
	s5 =	sand.u32 $0x1, s3  }
0x6: {  	s6 =	smul.u32 $0x9C40, s2;
	[smem:$0x7FF] =	sst s4;
	s9 =	sadd.s32 $0xB400, s0  }
0x7: {  	s23 =	sadd.s32 $0x1400, s0;
	_ =	strace $0x80000047;
	[dreg:$0x5] =	wrdreg s9  }
0x8: {  	s11 =	sadd.s32 $0xE00, s0;
	s13 =	smul.u32 $0x4E2, s2;
	[dreg:$0x6] =	wrdreg s23  }
0x9: {  	s25 =	sadd.s32 $0x800, s0;
	s2 =	smul.u32 $0xA0, s2;
	[dreg:$0x7] =	wrdreg s11  }
0xa: {  	s7 =	smul.u32 $0x9C400, s5;
	s10 =	ssub.s32 $0x2, s5;
	[dreg:$0x8] =	wrdreg s25  }
0xb: {  	p0 =	sne.s32 s5, $0x0;
	s26 =	sshrl.u32 s10, $0x1;
	s17 =	sadd.s32 s6, s16  }
0xc: {  	s28 =	sadd.s32 $0x1F40, s6;
	s12 =	sadd.s32 $0x3E80, s6;
	s14 =	sadd.s32 $0x5DC0, s6  }
0xd: {  	s15 =	sadd.s32 $0x7D00, s6;
	s1 =	sadd.s32 s1, s13;
	s29 =	sadd.s32 s6, s22  }
0xe: {  	[dreg:$0x10] =	wrdreg s2;
	s8 =	sadd.s32 s6, s7;
	s10 =	ssub.s32 s10, s26  }
0xf: {  	s18 =	sadd.s32 s28, s16;
	s19 =	sadd.s32 s12, s16;
	s20 =	sadd.s32 s14, s16  }
0x10: {  	[dreg:$0xd] =	wrdreg s1;
	s16 =	sadd.s32 s15, s16;
	s11 =	sadd.s32 s7, s28  }
0x11: {  	s13 =	sadd.s32 s7, s12;
	s29 =	sshrl.u32 s29, $0x3;
	[dreg:$0x9] =	wrdreg s17  }
0x12: {  	s14 =	sadd.s32 s7, s14;
	s7 =	sadd.s32 s7, s15;
	[dreg:$0x17] =	wrdreg s29  }
0x13: {  	s12 =	simm.s32 $0x7530;
	s1 =	simm.s32 $0x0;
	[dreg:$0xa] =	wrdreg s18  }
0x14: {  	s8 =	sshrl.u32 s8, $0x3;
	s6 =	sshrl.u32 s11, $0x3;
	[dreg:$0xb] =	wrdreg s19  }
0x15: {  	s23 =	sshrl.u32 s13, $0x3;
	s25 =	sshrl.u32 s14, $0x3;
	[dreg:$0xc] =	wrdreg s20  }
0x16: {  	s28 =	smax.u32 s10, $0x1;
	[dreg:$0xe] =	wrdreg s16;
	s24 =	sadd.s32 s8, s0  }
0x17: {  	s0 =	sadd.s32 $0x15400, s0;
	[dreg:$0x16] =	wrdreg s28;
	s9 =	sadd.s32 $0x4EA00, s24  }
0x18: {  	s7 =	sshrl.u32 s7, $0x3;
	s21 =	sadd.s32 s0, s8;
	[dreg:$0xf] =	wrdreg s9  }
.Ltmp0:
0x19: {  	s22 =	sadd.s32 s0, s6;
	[dreg:$0x11] =	wrdreg s21;
	(pc) =	sbr.rel .LBB2_1-.Ltmp0, $4  }
0x1a: {  	s11 =	simm.s32 $0x8130;
	s24 =	sadd.s32 s0, s23;
	[dreg:$0x12] =	wrdreg s22  }
0x1b: {  	s13 =	simm.s32 $0x2;
	s26 =	sadd.s32 s0, s25;
	[dreg:$0x13] =	wrdreg s24  }
0x1c: {  	s0 =	sadd.s32 s0, s7;
	s8 =	simm.s32 $0x7D30;
	[dreg:$0x14] =	wrdreg s26  }
0x1d: {  	v0 =	vimm.f32 $0.0e+00;
	[dreg:$0x15] =	wrdreg s0;
	s24 =	simm.s32 $0x3;
	s26 =	simm.s32 $0x2710  }
.LBB2_16:
0x1e: {  	[bflag:$0x0] =	sbarrier.arrive $0xFFFF  }
0x1f: {  	s0 =	simm.s32 @!p0 $0x0;
	s1 =	simm.s32 @!p0 $0x4E20;
	s2 =	rddreg [dreg:$0xd]  }
0x20: {  	[hbm4b:s2+s0] =	stream.linear.scatter @!p0 [tilespmem:s1], [sflag:$0x3], $0x2710, $0x38;
	[tilespmem:$0x1F9B0] =	vst v63  }
0x21: {  	s0 =	simm.s32 @!p0 $0x3  }
0x22: {  	_ =	swait.ge @!p0 [sflag:s0], $0x2710  }
0x23: {  	s17 =	rddreg [dreg:$0x9]  }
0x24: {  	[sflag:s0] =	ssyncset.done @!p0 $0x0;
	s9 =	rddreg [dreg:$0x11]  }
0x25: {  	s10 =	rddreg [dreg:$0x19];
	[sflag:s0] =	ssyncadd.s32 @!p0 $0xFFFFD8F0;
	s7 =	sshrl.u32 s17, $0x3  }
0x26: {  	[hbm:s9], [sflag:s10] =	dma.local [spmem:s7], $0x3E8  }
0x27: {  	_ =	swait.ge [sflag:s24], $0x3E8  }
0x28: {  	[sflag:s24] =	ssyncset.done $0x0;
	s18 =	rddreg [dreg:$0xa]  }
0x29: {  	s15 =	rddreg [dreg:$0x12];
	[sflag:s24] =	ssyncadd.s32 $0xFFFFFC18;
	s14 =	sshrl.u32 s18, $0x3  }
0x2a: {  	[hbm:s15], [sflag:s10] =	dma.local [spmem:s14], $0x3E8  }
0x2b: {  	_ =	swait.ge [sflag:s24], $0x3E8  }
0x2c: {  	[sflag:s24] =	ssyncset.done $0x0;
	s19 =	rddreg [dreg:$0xb]  }
0x2d: {  	s20 =	rddreg [dreg:$0x13];
	[sflag:s24] =	ssyncadd.s32 $0xFFFFFC18;
	s16 =	sshrl.u32 s19, $0x3  }
0x2e: {  	[hbm:s20], [sflag:s10] =	dma.local [spmem:s16], $0x3E8  }
0x2f: {  	_ =	swait.ge [sflag:s24], $0x3E8  }
0x30: {  	[sflag:s24] =	ssyncset.done $0x0;
	s20 =	rddreg [dreg:$0xc]  }
0x31: {  	s22 =	rddreg [dreg:$0x14];
	[sflag:s24] =	ssyncadd.s32 $0xFFFFFC18;
	s21 =	sshrl.u32 s20, $0x3  }
0x32: {  	[hbm:s22], [sflag:s10] =	dma.local [spmem:s21], $0x3E8  }
0x33: {  	_ =	swait.ge [sflag:s24], $0x3E8  }
0x34: {  	[sflag:s24] =	ssyncset.done $0x0;
	s16 =	rddreg [dreg:$0xe]  }
0x35: {  	s25 =	rddreg [dreg:$0x15];
	[sflag:s24] =	ssyncadd.s32 $0xFFFFFC18;
	s23 =	sshrl.u32 s16, $0x3  }
0x36: {  	[hbm:s25], [sflag:s10] =	dma.local [spmem:s23], $0x3E8  }
0x37: {  	_ =	swait.ge [sflag:s24], $0x3E8  }
0x38: {  	s28 =	rddreg [dreg:$0x18]  }
0x39: {  	s29 =	rddreg [dreg:$0x16];
	s1 =	sadd.s32 $0x1, s28  }
0x3a: {  	p1 =	sne.s32 s1, s29  }
.Ltmp1:
0x3b: {  	_ = 	snop;
	(pc) =	sbr.rel @!p1 .LBB2_17-.Ltmp1, $3  }
0x3c: {  	_ =	sdelay $0x1  }
0x3d: {  	[sflag:s24] =	ssyncset.done $0x0  }
0x3e: {  	[sflag:s24] =	ssyncadd.s32 $0xFFFFFC18  }
.LBB2_1:
0x3f: {  	[dreg:$0x18] =	wrdreg s1;
	s1 =	simm.s32 $0x0  }
.LBB2_2:
0x40: {  	p1 =	sne.s32 s1, $0x9C00  }
.Ltmp2:
0x41: {  	_ = 	snop;
	(pc) =	sbr.rel @p1 .LBB2_2-.Ltmp2, $3  }
0x42: {  	_ =	sdelay $0x1  }
0x43: {  	s5 =	sshra.s32 s1, $0x2  }
0x44: {  	s1 =	sadd.s32 $0x40, s1;
	[tilespmem:s5+$0x4E20] =	vst v0  }
0x45: {  	s5 =	simm.s32 $0x100;
	s1 =	simm.s32 $0x0  }
.LBB2_4:
0x46: {  	p1 =	sne.s32 s5, $0x7C00;
	[tilespmem:s1+$0x8160] =	vst v0;
	s6 =	smov.u32 s5;
	s5 =	sadd.s32 $0x100, s5  }
.Ltmp3:
0x47: {  	[tilespmem:s1+$0x8150] =	vst v0;
	(pc) =	sbr.rel @p1 .LBB2_4-.Ltmp3, $3  }
0x48: {  	[tilespmem:s1+$0x8130] =	vst v0  }
0x49: {  	[tilespmem:s1+$0x8140] =	vst v0;
	_ =	sdelay $0x1  }
0x4a: {  	s1 =	sshra.s32 s6, $0x2  }
0x4b: {  	[tilespmem:s1+$0x8160] =	vst v0  }
0x4c: {  	[tilespmem:s1+$0x8150] =	vst v0  }
0x4d: {  	[tilespmem:s1+$0x8130] =	vst v0  }
0x4e: {  	[tilespmem:s1+$0x8140] =	vst v0  }
0x4f: {  	[spmem:s17] =	stream.linear.scatter [tilespmem:s11], [sflag:$0x3], $0x1F40, $0x38;
	[tilespmem:$0x1F9B0] =	vst v63  }
0x50: {  	_ =	swait.ge [sflag:s24], $0x1F40  }
0x51: {  	[sflag:s24] =	ssyncset.done $0x0  }
0x52: {  	[sflag:s24] =	ssyncadd.s32 $0xFFFFE0C0  }
0x53: {  	[spmem:s18] =	stream.linear.scatter [tilespmem:s11], [sflag:$0x3], $0x1F40, $0x38;
	[tilespmem:$0x1F9B0] =	vst v63  }
0x54: {  	_ =	swait.ge [sflag:s24], $0x1F40  }
0x55: {  	[sflag:s24] =	ssyncset.done $0x0  }
0x56: {  	[sflag:s24] =	ssyncadd.s32 $0xFFFFE0C0  }
0x57: {  	[spmem:s19] =	stream.linear.scatter [tilespmem:s11], [sflag:$0x3], $0x1F40, $0x38;
	[tilespmem:$0x1F9B0] =	vst v63  }
0x58: {  	_ =	swait.ge [sflag:s24], $0x1F40  }
0x59: {  	[sflag:s24] =	ssyncset.done $0x0  }
0x5a: {  	[sflag:s24] =	ssyncadd.s32 $0xFFFFE0C0  }
0x5b: {  	[spmem:s20] =	stream.linear.scatter [tilespmem:s11], [sflag:$0x3], $0x1F40, $0x38;
	[tilespmem:$0x1F9B0] =	vst v63  }
0x5c: {  	s0 =	stileid.u32;
	_ =	swait.ge [sflag:s24], $0x1F40  }
0x5d: {  	s21 =	sshll.u32 s0, $0x6;
	[sflag:s24] =	ssyncset.done $0x0  }
0x5e: {  	s2 =	sor.u32 $0x1C03, s21;
	[sflag:s24] =	ssyncadd.s32 $0xFFFFE0C0  }
0x5f: {  	[spmem:s16] =	stream.linear.scatter [tilespmem:s11], [sflag:$0x3], $0x1F40, $0x38;
	[tilespmem:$0x1F9B0] =	vst v63  }
0x60: {  	_ =	swait.ge [sflag:s24], $0x1F40;
	[dreg:$0x19] =	wrdreg s2  }
0x61: {  	[sflag:s24] =	ssyncset.done $0x0;
	s22 =	rddreg [dreg:$0xf]  }
0x62: {  	s23 =	rddreg [dreg:$0x17];
	[sflag:s24] =	ssyncadd.s32 $0xFFFFE0C0  }
0x63: {  	[spmem:s23], [sflag:s2] =	dma.local [hbm:s22], $0x1388  }
0x64: {  	_ =	swait.ge [sflag:s24], $0x1388  }
0x65: {  	[sflag:s24] =	ssyncset.done $0x0  }
0x66: {  	s25 =	simm.s32 $0x0;
	s28 =	rddreg [dreg:$0x7];
	[sflag:s24] =	ssyncadd.s32 $0xFFFFEC78  }
0x67: {  	[tilespmem:s25], [sflag:$0x3] =	stream.linear.gather [hbm4b:s28+s25], $0x2710, $0x38;
	[tilespmem:$0x1F9B0] =	vst v63  }
0x68: {  	_ =	swait.ge [sflag:s24], $0x2710  }
0x69: {  	[sflag:s24] =	ssyncset.done $0x0  }
0x6a: {  	s29 =	rddreg [dreg:$0x8];
	[sflag:s24] =	ssyncadd.s32 $0xFFFFD8F0  }
0x6b: {  	[tilespmem:s26], [sflag:$0x3] =	stream.linear.gather [hbm4b:s29+s25], $0x2710, $0x38;
	[tilespmem:$0x1F9B0] =	vst v63  }
.Ltmp4:
0x6c: {  	_ =	swait.ge [sflag:s24], $0x2710;
	(pc) =	sbr.rel .LBB2_6-.Ltmp4, $4  }
0x6d: {  	[sflag:s24] =	ssyncset.done $0x0  }
0x6e: {  	[sflag:s24] =	ssyncadd.s32 $0xFFFFD8F0  }
0x6f: {  	[bflag:$0x0] =	sbarrier.arrive $0xFFFF  }
0x70: {  	s0 =	simm.s32 $0x0  }
.LBB2_15:
0x71: {  	s0 =	rddreg [dreg:$0x1a]  }
0x72: {  	s0 =	sadd.s32 $0x1, s0  }
0x73: {  	p1 =	sne.s32 s0, $0x14  }
.Ltmp5:
0x74: {  	_ = 	snop;
	(pc) =	sbr.rel @!p1 .LBB2_16-.Ltmp5, $1  }
0x75: {  	_ =	sdelay $0x3  }
.LBB2_6:
0x76: {  	s1 =	sshll.u32 s0, $0x3;
	s25 =	rddreg [dreg:$0x10]  }
0x77: {  	s20 =	sadd.s32 s25, s1  }
0x78: {  	s2 =	rddreg [dreg:$0x5];
	s1 =	sshll.u32 s20, $0x4  }
0x79: {  	[dreg:$0x1a] =	wrdreg s0;
	s5 =	sadd.s32 s2, s1;
	s2 =	simm.s32 $0x0  }
0x7a: {  	[tilespmem:s12], [sflag:$0x3] =	stream.linear.gather [hbm4b:s5+s2], $0x400, $0x38;
	[tilespmem:$0x1F9B0] =	vst v63  }
0x7b: {  	_ =	swait.ge [sflag:s24], $0x400  }
0x7c: {  	[sflag:s24] =	ssyncset.done $0x0;
	s3 =	rddreg [dreg:$0x6]  }
0x7d: {  	s5 =	simm.s32 $0x7930;
	[sflag:s24] =	ssyncadd.s32 $0xFFFFFC00;
	s1 =	sadd.s32 s3, s1  }
0x7e: {  	[tilespmem:s5], [sflag:$0x3] =	stream.linear.gather [hbm4b:s1+s2], $0x400, $0x38;
	[tilespmem:$0x1F9B0] =	vst v63  }
0x7f: {  	s16 =	sand.u32 $0x60, s2;
	_ =	swait.ge [sflag:s24], $0x400  }
0x80: {  	s6 =	simm.s32 $0x0;
	s9 =	sor.u32 $0x10, s16;
	[sflag:s24] =	ssyncset.done $0x0  }
0x81: {  	s7 =	sor.u32 s6, s9;
	[sflag:s24] =	ssyncadd.s32 $0xFFFFFC00  }
0x82: {  	v1 =	vld [tilespmem:s7+$0x7530]  }
0x83: {  	v7 =	vld [tilespmem:s7+$0x7930];
	_ =	sdelay $0x1  }
0x84: {  	s22 =	simm.s32 $0x20  }
0x85: {  	s18 =	sand.u32 $0x60, s22;
	s6 =	sor.u32 s16, s6  }
0x86: {  	s10 =	simm.s32 $0x0;
	s5 =	sor.u32 $0x10, s18;
	v3 =	vld [tilespmem:s6+$0x7530]  }
0x87: {  	s19 =	sor.u32 s10, s5;
	v2 =	vld [tilespmem:s6+$0x7930]  }
0x88: {  	v6 =	vld [tilespmem:s19+$0x7530]  }
0x89: {  	v4 =	vld.idx.msk [tilespmem:v1+s4+$0x0], $0xffff  }
0x8a: {  	v5 =	vld.idx.msk [tilespmem:v7+s26+$0x0], $0xffff  }
0x8b: {  	v12 =	vld [tilespmem:s19+$0x7930];
	_ =	sdelay $0x1  }
0x8c: {  	s14 =	sor.u32 s18, s10  }
0x8d: {  	v8 =	vld [tilespmem:s14+$0x7530]  }
0x8e: {  	v1 =	vld [tilespmem:s14+$0x7930];
	v4 =	vadd.f32 v5, v4  }
0x8f: {  	v3 =	vld.idx.msk [tilespmem:v3+s4+$0x0], $0xffff  }
0x90: {  	v5 =	vld.idx.msk [tilespmem:v2+s26+$0x0], $0xffff;
	v9 =	vmul.f32 $2.000000030e-01, v4  }
0x91: {  	s23 =	simm.s32 $0x40;
	v6 =	vld.idx.msk [tilespmem:v6+s4+$0x0], $0xffff;
	vm0 =	vge.f32 v4, $0.0e+00  }
0x92: {  	s11 =	sand.u32 $0x60, s23;
	v10 =	vld.idx.msk [tilespmem:v12+s26+$0x0], $0xffff;
	v4 =	vsel vm0, v4, v9  }
0x93: {  	s25 =	simm.s32 $0x0;
	s29 =	sor.u32 $0x10, s11;
	v4 =	vmul.f32 $1.442695020e+00, v4  }
0x94: {  	s22 =	sor.u32 s25, s29  }
0x95: {  	v9 =	vld [tilespmem:s22+$0x7530];
	v5 =	vadd.f32 v5, v3;
	(erf) = vpow2.f32 v4  }
0x96: {  	v4 =	vld [tilespmem:s22+$0x7930]  }
0x97: {  	s21 =	sor.u32 s11, s25;
	v6 =	vadd.f32 v10, v6;
	v10 =	vmul.f32 $2.000000030e-01, v5  }
0x98: {  	s0 =	simm.s32 $0x60;
	v11 =	vld [tilespmem:s21+$0x7530];
	vm0 =	vge.f32 v5, $0.0e+00  }
0x99: {  	s25 =	sand.u32 $0x60, s0;
	v8 =	vld.idx.msk [tilespmem:v8+s4+$0x0], $0xffff;
	v5 =	vsel vm0, v5, v10  }
0x9a: {  	s15 =	simm.s32 $0x0;
	s12 =	sor.u32 $0x10, s25;
	s2 =	simm.s32 $0x0;
	v13 =	vmul.f32 $2.000000030e-01, v6;
	v14 =	vld.idx.msk [tilespmem:v1+s26+$0x0], $0xffff;
	v5 =	vmul.f32 $1.442695020e+00, v5  }
0x9b: {  	s17 =	sor.u32 s20, s2;
	s10 =	sor.u32 s15, s12;
	v3 =	vld [tilespmem:s21+$0x7930];
	vm0 =	vge.f32 v6, $0.0e+00  }
0x9c: {  	s23 =	sshll.u32 s17, $0x7;
	v10 =	vld [tilespmem:s10+$0x7530];
	v6 =	vsel vm0, v6, v13  }
0x9d: {  	s17 =	sor.u32 s9, s23;
	v13 =	vmul.f32 $1.442695020e+00, v6;
	v9 =	vld.idx.msk [tilespmem:v9+s4+$0x0], $0xffff  }
0x9e: {  	p1 =	slt.u32 s17, $0x4E200;
	(erf) = vpow2.f32 v5;
	v15 =	vld.idx.msk [tilespmem:v4+s26+$0x0], $0xffff;
	v5 =	vpop (erf)  }
0x9f: {  	v6 =	vld [tilespmem:s10+$0x7930];
	(erf) = vpow2.f32 v13;
	v13 =	vpsel !p1, $0x0, v5  }
0xa0: {  	[tilespmem:s7+$0x7D30] =	vst v13  }
0xa1: {  	s9 =	sor.u32 s25, s15;
	[tilespmem:v7+s30+$0x0] =	vst.idx.add.f32.msk $0xffff, v13;
	v7 =	vadd.f32 v14, v8  }
0xa2: {  	v16 =	vld [tilespmem:s9+$0x7530]  }
0xa3: {  	v8 =	vld.idx.msk [tilespmem:v11+s4+$0x0], $0xffff;
	v9 =	vadd.f32 v15, v9;
	v11 =	vmul.f32 $2.000000030e-01, v7  }
0xa4: {  	s28 =	simm.s32 $0x80;
	s3 =	simm.s32 $0x0;
	v5 =	vld [tilespmem:s9+$0x7930];
	vm0 =	vge.f32 v7, $0.0e+00  }
0xa5: {  	s3 =	sor.u32 s20, s3;
	s15 =	sand.u32 $0x60, s28;
	v13 =	vld.idx.msk [tilespmem:v3+s26+$0x0], $0xffff;
	v15 =	vmul.f32 $2.000000030e-01, v9;
	v7 =	vsel vm0, v7, v11  }
0xa6: {  	s3 =	sshll.u32 s3, $0x7;
	s17 =	sor.u32 $0x10, s15;
	s7 =	simm.s32 $0x80;
	v14 =	vld.idx.msk [tilespmem:v10+s4+$0x0], $0xffff;
	v19 =	vmul.f32 $1.442695020e+00, v7  }
0xa7: {  	s5 =	sor.u32 s5, s3;
	s1 =	sor.u32 s7, s17;
	v17 =	vld.idx.msk [tilespmem:v6+s26+$0x0], $0xffff;
	vm0 =	vge.f32 v9, $0.0e+00  }
0xa8: {  	p5 =	slt.u32 s5, $0x4E200;
	s5 =	sor.u32 s15, s7;
	v10 =	vld [tilespmem:s1+$0x7530];
	v18 =	vpop (erf);
	v9 =	vsel vm0, v9, v15;
	(erf) = vpow2.f32 v19  }
0xa9: {  	v11 =	vld [tilespmem:s5+$0x7530];
	v20 =	vmul.f32 $1.442695020e+00, v9;
	v15 =	vpop (erf)  }
0xaa: {  	s16 =	sor.u32 s16, s23;
	v7 =	vld [tilespmem:s1+$0x7930];
	v15 =	vpsel !p5, $0x0, v15  }
0xab: {  	p6 =	slt.u32 s16, $0x4E200;
	v13 =	vadd.f32 v13, v8;
	v8 =	vld [tilespmem:s5+$0x7930];
	(erf) = vpow2.f32 v20;
	[tilespmem:s19+$0x7D30] =	vst v15  }
0xac: {  	s23 =	sor.u32 s18, s3;
	s18 =	simm.s32 $0x8;
	s16 =	simm.s32 $0x0;
	v9 =	vpsel !p6, $0x0, v18;
	[tilespmem:v12+s30+$0x0] =	vst.idx.add.f32.msk $0xffff, v15  }
0xad: {  	p1 =	slt.u32 s23, $0x4E200;
	v14 =	vadd.f32 v17, v14;
	[tilespmem:s6+$0x7D30] =	vst v9;
	s6 =	simm.s32 $0x1;
	vm0 =	vge.f32 v13, $0.0e+00;
	s19 =	simm.s32 $0x0;
	v15 =	vmul.f32 $2.000000030e-01, v13;
	v12 =	vld.idx.msk [tilespmem:v16+s4+$0x0], $0xffff  }
.LBB2_7:
0xae: {  	s18 =	sadd.s32 $0x2, s18;
	s28 =	sadd.s32 $0x20, s28;
	s23 =	smov.u32 s5  }
0xaf: {  	v16 =	vld.idx.msk [tilespmem:v5+s26+$0x0], $0xffff;
	v13 =	vsel vm0, v13, v15;
	v17 =	vmov v7;
	s2 =	smov.u32 s22;
	s22 =	smov.u32 s10;
	s10 =	smov.u32 s1  }
0xb0: {  	s3 =	sshrl.u32 s18, $0x3;
	s0 =	sand.u32 $0x60, s28;
	v15 =	vmul.f32 $2.000000030e-01, v14;
	v13 =	vmul.f32 $1.442695020e+00, v13;
	[tilespmem:v2+s30+$0x0] =	vst.idx.add.f32.msk $0xffff, v9;
	v18 =	vmovc v11;
	v2 =	vmovc v1;
	v1 =	vmov v3  }
0xb1: {  	s19 =	sor.u32 s20, s19;
	vm0 =	vge.f32 v14, $0.0e+00;
	v3 =	vmov v5;
	s1 =	sshll.u32 s3, $0x7;
	s7 =	sor.u32 $0x10, s0;
	v19 =	vld.idx.msk [tilespmem:v10+s4+$0x0], $0xffff;
	v9 =	vpop (erf);
	v5 =	vmov v8  }
0xb2: {  	s19 =	sshll.u32 s19, $0x7;
	s5 =	sor.u32 s0, s1;
	s1 =	sor.u32 s1, s7;
	v20 =	vld.idx.msk [tilespmem:v7+s26+$0x0], $0xffff;
	v7 =	vsel vm0, v14, v15;
	(erf) = vpow2.f32 v13;
	v9 =	vpsel !p1, $0x0, v9  }
0xb3: {  	p2 =	slt.u32 s18, $0x3E;
	s11 =	sor.u32 s11, s19;
	s19 =	sor.u32 s29, s19;
	v10 =	vld [tilespmem:s1+$0x7530];
	v8 =	vmul.f32 $1.442695020e+00, v7;
	[tilespmem:s14+$0x7D30] =	vst v9  }
.Ltmp6:
0xb4: {  	p1 =	slt.u32 s11, $0x4E200;
	p3 =	slt.u32 s19, $0x4E200;
	v7 =	vld [tilespmem:s1+$0x7930];
	v14 =	vpop (erf);
	(pc) =	sbr.rel @p2 .LBB2_7-.Ltmp6, $4  }
0xb5: {  	s19 =	smov.u32 s16;
	s16 =	smov.u32 s6;
	s6 =	smov.u32 s3;
	v13 =	vadd.f32 v16, v12;
	v11 =	vld [tilespmem:s5+$0x7530];
	(erf) = vpow2.f32 v8;
	v12 =	vpsel !p3, $0x0, v14  }
0xb6: {  	s11 =	smov.u32 s25;
	s25 =	smov.u32 s15;
	s15 =	smov.u32 s0;
	v8 =	vld [tilespmem:s5+$0x7930];
	[tilespmem:s2+$0x7D30] =	vst v12  }
0xb7: {  	s29 =	smov.u32 s12;
	s12 =	smov.u32 s17;
	s17 =	smov.u32 s7;
	vm0 =	vge.f32 v13, $0.0e+00;
	v15 =	vmul.f32 $2.000000030e-01, v13;
	[tilespmem:v4+s30+$0x0] =	vst.idx.add.f32.msk $0xffff, v12;
	v4 =	vmovc v6;
	v6 =	vmov v17  }
0xb8: {  	s14 =	smov.u32 s21;
	s21 =	smov.u32 s9;
	s9 =	smov.u32 s23;
	v14 =	vadd.f32 v20, v19;
	v12 =	vld.idx.msk [tilespmem:v18+s4+$0x0], $0xffff  }
0xb9: {  	_ =	sdelay $0x3  }
0xba: {  	v16 =	vld.idx.msk [tilespmem:v5+s26+$0x0], $0xffff  }
0xbb: {  	v10 =	vld.idx.msk [tilespmem:v10+s4+$0x0], $0xffff  }
0xbc: {  	v17 =	vld.idx.msk [tilespmem:v7+s26+$0x0], $0xffff;
	_ =	sdelay $0x2  }
0xbd: {  	v18 =	vmul.f32 $2.000000030e-01, v14;
	v11 =	vld.idx.msk [tilespmem:v11+s4+$0x0], $0xffff  }
0xbe: {  	v13 =	vsel vm0, v13, v15;
	vm12 =	vge.f32 v14, $0.0e+00;
	v54 =	vld.idx.msk [tilespmem:v8+s26+$0x0], $0xffff;
	v12 =	vadd.f32 v16, v12  }
0xbf: {  	v13 =	vmul.f32 $1.442695020e+00, v13;
	v14 =	vsel vm12, v14, v18;
	v10 =	vadd.f32 v17, v10  }
0xc0: {  	v14 =	vmul.f32 $1.442695020e+00, v14;
	v55 =	vmul.f32 $2.000000030e-01, v12  }
0xc1: {  	(erf) = vpow2.f32 v13;
	vm13 =	vge.f32 v12, $0.0e+00;
	v56 =	vmul.f32 $2.000000030e-01, v10  }
0xc2: {  	(erf) = vpow2.f32 v14;
	vm14 =	vge.f32 v10, $0.0e+00;
	v12 =	vsel vm13, v12, v55  }
0xc3: {  	v11 =	vadd.f32 v54, v11;
	v10 =	vsel vm14, v10, v56;
	v12 =	vmul.f32 $1.442695020e+00, v12  }
0xc4: {  	v10 =	vmul.f32 $1.442695020e+00, v10  }
0xc5: {  	s0 =	sor.u32 s20, s19;
	v57 =	vmul.f32 $2.000000030e-01, v11;
	(erf) = vpow2.f32 v12  }
0xc6: {  	s0 =	sshll.u32 s0, $0x7;
	v58 =	vpop (erf);
	vm15 =	vge.f32 v11, $0.0e+00;
	(erf) = vpow2.f32 v10  }
0xc7: {  	s2 =	sor.u32 s29, s0;
	v59 =	vsel vm15, v11, v57  }
0xc8: {  	[tilespmem:v2+s30+$0x0] =	vst.idx.add.f32.msk $0xffff, v9;
	s19 =	sor.u32 s20, s16;
	v2 =	vpsel !p1, $0x0, v58;
	p6 =	slt.u32 s2, $0x4E200;
	v60 =	vpop (erf);
	v10 =	vmul.f32 $1.442695020e+00, v59  }
0xc9: {  	s2 =	sshll.u32 s19, $0x7;
	[tilespmem:s14+$0x7D30] =	vst v2;
	v9 =	vpsel !p6, $0x0, v60  }
0xca: {  	s0 =	sor.u32 s11, s0;
	[tilespmem:s22+$0x7D30] =	vst v9;
	s22 =	sor.u32 s12, s2;
	v61 =	vpop (erf);
	(erf) = vpow2.f32 v10  }
0xcb: {  	p2 =	slt.u32 s0, $0x4E200;
	[tilespmem:v1+s30+$0x0] =	vst.idx.add.f32.msk $0xffff, v2;
	p3 =	slt.u32 s22, $0x4E200;
	v62 =	vpop (erf)  }
0xcc: {  	s23 =	sor.u32 s20, s6;
	[tilespmem:v4+s30+$0x0] =	vst.idx.add.f32.msk $0xffff, v9;
	v1 =	vpsel !p2, $0x0, v61;
	v2 =	vpsel !p3, $0x0, v62  }
0xcd: {  	s0 =	sshll.u32 s23, $0x7;
	[tilespmem:s21+$0x7D30] =	vst v1  }
0xce: {  	s28 =	sor.u32 s17, s0;
	s2 =	sor.u32 s25, s2;
	[tilespmem:s10+$0x7D30] =	vst v2;
	v63 =	vpop (erf)  }
0xcf: {  	p5 =	slt.u32 s28, $0x4E200;
	p4 =	slt.u32 s2, $0x4E200;
	[tilespmem:v6+s30+$0x0] =	vst.idx.add.f32.msk $0xffff, v2;
	v2 =	vpop (erf)  }
0xd0: {  	[tilespmem:v3+s30+$0x0] =	vst.idx.add.f32.msk $0xffff, v1;
	v1 =	vpsel !p4, $0x0, v63;
	v2 =	vpsel !p5, $0x0, v2  }
0xd1: {  	[tilespmem:s9+$0x7D30] =	vst v1  }
0xd2: {  	s0 =	sor.u32 s15, s0;
	[tilespmem:s1+$0x7D30] =	vst v2  }
0xd3: {  	p6 =	slt.u32 s0, $0x4E200;
	[tilespmem:v7+s30+$0x0] =	vst.idx.add.f32.msk $0xffff, v2;
	v2 =	vpop (erf)  }
0xd4: {  	s7 =	rddreg [dreg:$0x3];
	[tilespmem:v5+s30+$0x0] =	vst.idx.add.f32.msk $0xffff, v1;
	v1 =	vpsel !p6, $0x0, v2  }
0xd5: {  	s20 =	simm.s32 $0x0;
	s3 =	rddreg [dreg:$0x2];
	[tilespmem:s5+$0x7D30] =	vst v1  }
0xd6: {  	s11 =	simm.s32 $0x8130;
	s29 =	simm.s32 $0x75B0;
	s12 =	simm.s32 $0x7530;
	[tilespmem:v8+s30+$0x0] =	vst.idx.add.f32.msk $0xffff, v1  }
0xd7: {  	[tilespmem:s11], [sflag:$0x1] =	stream.indirect.gather [spmem:s7], $0x40, s12, s31, $0xb8;
	[tilespmem:$0x1F9B0] =	vst v63  }
0xd8: {  	s14 =	simm.s32 $0xA130;
	s15 =	simm.s32 $0x1;
	s21 =	simm.s32 $0x0  }
0xd9: {  	[tilespmem:s14], [sflag:$0x2] =	stream.indirect.gather [spmem:s7], $0x40, s29, s31, $0xb8;
	[tilespmem:$0x1F9B0] =	vst v63  }
.LBB2_9:
0xda: {  	s0 =	sshll.u32 s21, $0x8;
	v2 =	vmov s20;
	s22 =	simm.s32 $0x1  }
0xdb: {  	s1 =	simm.s32 $0x2;
	v1 =	vmov s0;
	v2 =	vand.u32 $0x7C, v2;
	v3 =	vmov s22  }
0xdc: {  	v4 =	vmov s1;
	v2 =	vor.u32 v1, v2;
	v3 =	vand.u32 $0x7D, v3  }
0xdd: {  	s23 =	simm.s32 $0x3;
	v4 =	vand.u32 $0x7E, v4;
	v2 =	vbroadcast v2, $0x0;
	v3 =	vor.u32 v1, v3  }
0xde: {  	v5 =	vmov s23;
	v4 =	vor.u32 v1, v4;
	v3 =	vbroadcast v3, $0x0  }
0xdf: {  	_ =	swait.ge [sflag:s15], $0x2000;
	v5 =	vand.u32 $0x7F, v5;
	v6 =	vbroadcast v4, $0x0  }
0xe0: {  	[sflag:s15] =	ssyncset.done $0x0;
	v4 =	vor.u32 v1, v5  }
0xe1: {  	s10 =	simm.s32 $0x81B0;
	[sflag:s15] =	ssyncadd.s32 $0xFFFFE000;
	v5 =	vbroadcast v4, $0x0  }
0xe2: {  	v7 =	vld [tilespmem:s10+$0xFFFFFF80]  }
0xe3: {  	v10 =	vld.idx.msk [tilespmem:v2+s8+$0x0], $0xffff  }
0xe4: {  	v4 =	vld.idx.msk [tilespmem:v3+s8+$0x0], $0xffff  }
0xe5: {  	v2 =	vld.idx.msk [tilespmem:v6+s8+$0x0], $0xffff  }
0xe6: {  	v6 =	vld [tilespmem:s10+$0x70]  }
0xe7: {  	v3 =	vld.idx.msk [tilespmem:v5+s8+$0x0], $0xffff  }
0xe8: {  	v8 =	vld [tilespmem:s10+$0xFFFFFF90]  }
0xe9: {  	v9 =	vld [tilespmem:s10+$0xFFFFFFA0]  }
0xea: {  	s25 =	simm.s32 $0x4;
	v12 =	vld [tilespmem:s10+$0xFFFFFFB0]  }
0xeb: {  	s28 =	simm.s32 $0x5;
	v11 =	vmov s25;
	v5 =	vld [tilespmem:s10+$0xFFFFFFC0];
	v15 =	vmul.f32 v7, v10  }
0xec: {  	s29 =	simm.s32 $0x6;
	v14 =	vmov s28;
	v11 =	vand.u32 $0x7C, v11;
	v13 =	vmul.f32 v6, v3;
	v6 =	vld [tilespmem:s10+$0xFFFFFFD0]  }
0xed: {  	v16 =	vor.u32 v1, v11;
	v11 =	vmov s29;
	v17 =	vmul.f32 v8, v10;
	v7 =	vld [tilespmem:s10+$0xFFFFFFE0];
	[tilespmem:s10+$0xFFFFFF80] =	vst v15  }
0xee: {  	s9 =	sshll.u32 s21, $0x1;
	v14 =	vand.u32 $0x7D, v14;
	[tilespmem:s10+$0x70] =	vst v13;
	v13 =	vand.u32 $0x7E, v11;
	v11 =	vmul.f32 v9, v10;
	v9 =	vld [tilespmem:s10+$0xFFFFFFF0]  }
0xef: {  	s6 =	simm.s32 $0x7;
	s5 =	simm.s32 $0x8;
	s1 =	simm.s32 $0x81B0;
	v14 =	vor.u32 v1, v14;
	v8 =	vbroadcast v16, $0x0;
	v12 =	vmul.f32 v12, v10;
	[tilespmem:s10+$0xFFFFFF90] =	vst v17;
	v10 =	vld [tilespmem:s10+$0x0]  }
.LBB2_10:
0xf0: {  	p1 =	slt.u32 s5, $0x7C;
	v13 =	vor.u32 v1, v13;
	v15 =	vmov s6;
	[tilespmem:s10+$0xFFFFFFA0] =	vst v11;
	v5 =	vmul.f32 v5, v4;
	v11 =	vld [tilespmem:s10+$0x10]  }
0xf1: {  	v14 =	vbroadcast v14, $0x0;
	v15 =	vand.u32 $0x7F, v15;
	[tilespmem:s10+$0xFFFFFFB0] =	vst v12;
	v6 =	vmul.f32 v6, v4;
	v12 =	vld [tilespmem:s10+$0x20]  }
0xf2: {  	v13 =	vbroadcast v13, $0x0;
	v15 =	vor.u32 v1, v15;
	[tilespmem:s10+$0xFFFFFFC0] =	vst v5;
	v5 =	vmul.f32 v7, v4;
	v7 =	vld [tilespmem:s10+$0x30]  }
0xf3: {  	v15 =	vbroadcast v15, $0x0;
	[tilespmem:s10+$0xFFFFFFD0] =	vst v6;
	v4 =	vmul.f32 v9, v4;
	v6 =	vld [tilespmem:s10+$0x40]  }
0xf4: {  	[tilespmem:s10+$0xFFFFFFE0] =	vst v5;
	v5 =	vmul.f32 v10, v2;
	v9 =	vld [tilespmem:s10+$0x50]  }
0xf5: {  	[tilespmem:s10+$0xFFFFFFF0] =	vst v4;
	v10 =	vmul.f32 v11, v2;
	v11 =	vld [tilespmem:s10+$0x60]  }
0xf6: {  	v16 =	vld.idx.msk [tilespmem:v8+s8+$0x0], $0xffff;
	[tilespmem:s10+$0x0] =	vst v5;
	v5 =	vmul.f32 v12, v2  }
0xf7: {  	v4 =	vld.idx.msk [tilespmem:v14+s8+$0x0], $0xffff;
	[tilespmem:s10+$0x10] =	vst v10;
	v7 =	vmul.f32 v7, v2  }
0xf8: {  	v2 =	vld.idx.msk [tilespmem:v13+s8+$0x0], $0xffff;
	[tilespmem:s10+$0x20] =	vst v5;
	v5 =	vmul.f32 v6, v3  }
0xf9: {  	s10 =	sadd.s32 $0x100, s10;
	v6 =	vld.idx.msk [tilespmem:v15+s8+$0x0], $0xffff;
	[tilespmem:s1+$0x30] =	vst v7;
	v7 =	vmul.f32 v9, v3  }
0xfa: {  	v8 =	vld [tilespmem:s10+$0x70];
	[tilespmem:s1+$0x40] =	vst v5;
	v3 =	vmul.f32 v11, v3  }
0xfb: {  	v9 =	vld [tilespmem:s10+$0xFFFFFF80];
	[tilespmem:s1+$0x50] =	vst v7  }
0xfc: {  	v7 =	vld [tilespmem:s10+$0xFFFFFF90];
	[tilespmem:s1+$0x60] =	vst v3;
	s1 =	smov.u32 s10  }
0xfd: {  	v10 =	vld [tilespmem:s10+$0xFFFFFFA0]  }
0xfe: {  	v12 =	vld [tilespmem:s10+$0xFFFFFFB0]  }
.Ltmp7:
0xff: {  	s0 =	sadd.s32 $0x1, s5;
	v11 =	vmov s5;
	v3 =	vmov v6;
	v5 =	vld [tilespmem:s10+$0xFFFFFFC0];
	v8 =	vmul.f32 v8, v6;
	(pc) =	sbr.rel @p1 .LBB2_10-.Ltmp7, $4  }
0x100: {  	v13 =	vmov s0;
	s0 =	sadd.s32 $0x2, s5;
	v11 =	vand.u32 $0x7C, v11;
	v9 =	vmul.f32 v9, v16;
	v6 =	vld [tilespmem:s10+$0xFFFFFFD0]  }
0x101: {  	v14 =	vor.u32 v1, v11;
	v11 =	vmov s0;
	v15 =	vmul.f32 v7, v16;
	v7 =	vld [tilespmem:s10+$0xFFFFFFE0];
	[tilespmem:s10+$0x70] =	vst v8  }
0x102: {  	v17 =	vand.u32 $0x7D, v13;
	v13 =	vand.u32 $0x7E, v11;
	[tilespmem:s10+$0xFFFFFF80] =	vst v9;
	v11 =	vmul.f32 v10, v16;
	v9 =	vld [tilespmem:s10+$0xFFFFFFF0]  }
0x103: {  	s6 =	sadd.s32 $0x3, s5;
	s5 =	sadd.s32 $0x4, s5;
	v8 =	vbroadcast v14, $0x0;
	v14 =	vor.u32 v1, v17;
	[tilespmem:s10+$0xFFFFFF90] =	vst v15;
	v12 =	vmul.f32 v12, v16;
	v10 =	vld [tilespmem:s10+$0x0]  }
0x104: {  	v16 =	vld [tilespmem:s10+$0x10]  }
0x105: {  	v17 =	vld [tilespmem:s10+$0x20]  }
0x106: {  	v15 =	vmov s6;
	v18 =	vld [tilespmem:s10+$0x40]  }
0x107: {  	v14 =	vbroadcast v14, $0x0;
	[tilespmem:s10+$0xFFFFFFA0] =	vst v11;
	v5 =	vmul.f32 v5, v4;
	v11 =	vld [tilespmem:s10+$0x50];
	v15 =	vand.u32 $0x7F, v15  }
0x108: {  	v13 =	vor.u32 v1, v13;
	[tilespmem:s10+$0xFFFFFFB0] =	vst v12;
	v6 =	vmul.f32 v6, v4;
	v12 =	vld [tilespmem:s10+$0x60];
	v1 =	vor.u32 v1, v15  }
0x109: {  	v15 =	vld [tilespmem:s10+$0x30];
	[tilespmem:s10+$0xFFFFFFC0] =	vst v5;
	v5 =	vmul.f32 v7, v4;
	v1 =	vbroadcast v1, $0x0  }
0x10a: {  	s0 =	sadd.s32 $0x100, s10;
	v7 =	vld.idx.msk [tilespmem:v8+s8+$0x0], $0xffff;
	[tilespmem:s10+$0xFFFFFFD0] =	vst v6;
	v4 =	vmul.f32 v9, v4  }
0x10b: {  	v9 =	vld [tilespmem:s0+$0x70];
	[tilespmem:s10+$0xFFFFFFE0] =	vst v5;
	v5 =	vmul.f32 v10, v2  }
0x10c: {  	v13 =	vbroadcast v13, $0x0;
	v10 =	vld [tilespmem:s0+$0xFFFFFF90];
	[tilespmem:s10+$0xFFFFFFF0] =	vst v4;
	v4 =	vmul.f32 v16, v2  }
0x10d: {  	v6 =	vld.idx.msk [tilespmem:v14+s8+$0x0], $0xffff;
	[tilespmem:s10+$0x0] =	vst v5;
	v5 =	vmul.f32 v17, v2  }
0x10e: {  	[tilespmem:s10+$0x10] =	vst v4;
	v2 =	vmul.f32 v15, v2;
	v4 =	vld [tilespmem:s0+$0xFFFFFF80]  }
0x10f: {  	[tilespmem:s10+$0x20] =	vst v5;
	v5 =	vmul.f32 v18, v3;
	v1 =	vld.idx.msk [tilespmem:v1+s8+$0x0], $0xffff  }
0x110: {  	[tilespmem:s1+$0x30] =	vst v2;
	v2 =	vmul.f32 v11, v3;
	v11 =	vld [tilespmem:s0+$0xFFFFFFA0]  }
0x111: {  	[tilespmem:s1+$0x40] =	vst v5;
	v5 =	vld [tilespmem:s0+$0xFFFFFFB0]  }
0x112: {  	v8 =	vld.idx.msk [tilespmem:v13+s8+$0x0], $0xffff;
	v3 =	vmul.f32 v12, v3  }
0x113: {  	v10 =	vmul.f32 v10, v7;
	[tilespmem:s1+$0x50] =	vst v2;
	v2 =	vld [tilespmem:s0+$0xFFFFFFC0]  }
0x114: {  	[tilespmem:s1+$0x60] =	vst v3;
	v3 =	vmul.f32 v4, v7;
	v4 =	vld [tilespmem:s0+$0xFFFFFFD0]  }
0x115: {  	v12 =	vld [tilespmem:s0+$0xFFFFFFE0];
	[tilespmem:s0+$0xFFFFFF90] =	vst v10;
	v9 =	vmul.f32 v9, v1  }
0x116: {  	[tilespmem:s0+$0xFFFFFF80] =	vst v3;
	v3 =	vmul.f32 v11, v7;
	v5 =	vmul.f32 v5, v7;
	v7 =	vld [tilespmem:s0+$0x0]  }
0x117: {  	[tilespmem:s0+$0x70] =	vst v9;
	v9 =	vld [tilespmem:s0+$0xFFFFFFF0]  }
0x118: {  	[tilespmem:s0+$0xFFFFFFA0] =	vst v3;
	v2 =	vmul.f32 v2, v6;
	v3 =	vld [tilespmem:s0+$0x10]  }
0x119: {  	[tilespmem:s0+$0xFFFFFFB0] =	vst v5;
	v4 =	vmul.f32 v4, v6  }
0x11a: {  	v10 =	vld [tilespmem:s0+$0x30];
	[tilespmem:s0+$0xFFFFFFC0] =	vst v2;
	v2 =	vmul.f32 v12, v6  }
0x11b: {  	v5 =	vld [tilespmem:s0+$0x20];
	[tilespmem:s0+$0xFFFFFFD0] =	vst v4  }
0x11c: {  	[tilespmem:s0+$0xFFFFFFE0] =	vst v2;
	v2 =	vmul.f32 v7, v8;
	v7 =	vld [tilespmem:s0+$0x50];
	v4 =	vmul.f32 v9, v6  }
0x11d: {  	v6 =	vld [tilespmem:s0+$0x40];
	v3 =	vmul.f32 v3, v8  }
0x11e: {  	[tilespmem:s0+$0xFFFFFFF0] =	vst v4;
	v4 =	vld [tilespmem:s0+$0x60]  }
0x11f: {  	[tilespmem:s0+$0x10] =	vst v3;
	v3 =	vmul.f32 v10, v8  }
0x120: {  	[tilespmem:s0+$0x0] =	vst v2;
	v2 =	vmul.f32 v5, v8  }
0x121: {  	[tilespmem:s0+$0x30] =	vst v3;
	v3 =	vmul.f32 v7, v1  }
0x122: {  	s16 =	simm.s32 $0x0;
	[tilespmem:s0+$0x20] =	vst v2;
	v2 =	vmul.f32 v6, v1  }
0x123: {  	s17 =	simm.s32 $0x1;
	s18 =	simm.s32 $0x2;
	s1 =	sshll.u32 s21, $0xA;
	[tilespmem:s0+$0x50] =	vst v3;
	v1 =	vmul.f32 v4, v1  }
0x124: {  	s19 =	simm.s32 $0x3;
	s10 =	sor.u32 $0x1, s9;
	s22 =	sshrl.u32 s1, $0x2;
	[tilespmem:s0+$0x40] =	vst v2  }
0x125: {  	p1 =	seq.s32 s21, $0x3;
	s25 =	sshll.u32 s10, $0x7;
	s2 =	sadd.s32 $0x7930, s22;
	v5 =	vmov s19;
	v2 =	vmov s16;
	[tilespmem:s0+$0x60] =	vst v1  }
0x126: {  	v3 =	vmov s17;
	v2 =	vand.u32 $0x7C, v2;
	v1 =	vmov s25;
	[spmem:s3] =	stream.indirect.scatter.add.f32 [tilespmem:s11], [sflag:$0x3], $0x40, s2, s31, $0xb8;
	[tilespmem:$0x1F9B0] =	vst v63  }
0x127: {  	s1 =	sshrl.u32 @!p1 s1, $0x2;
	v4 =	vmov s18;
	v3 =	vand.u32 $0x7D, v3;
	v2 =	vor.u32 v1, v2;
	_ =	swait.ge [sflag:s24], $0x2000  }
0x128: {  	v4 =	vand.u32 $0x7E, v4;
	s0 =	sadd.s32 @!p1 $0x7630, s1;
	v3 =	vor.u32 v1, v3;
	v2 =	vbroadcast v2, $0x0;
	[sflag:s24] =	ssyncset.done $0x0  }
0x129: {  	v5 =	vand.u32 $0x7F, v5;
	s1 =	simm.s32 @!p1 $0x80;
	s2 =	simm.s32 @!p1 $0x8130;
	v4 =	vor.u32 v1, v4;
	v3 =	vbroadcast v3, $0x0;
	[sflag:s24] =	ssyncadd.s32 $0xFFFFE000  }
0x12a: {  	v6 =	vbroadcast v4, $0x0;
	v4 =	vor.u32 v1, v5;
	[tilespmem:s2], [sflag:$0x1] =	stream.indirect.gather @!p1 [spmem:s7], $0x40, s0, s1, $0xb8;
	[tilespmem:$0x1F9B0] =	vst v63  }
0x12b: {  	v5 =	vbroadcast v4, $0x0;
	_ =	swait.ge [sflag:s13], $0x2000  }
0x12c: {  	[sflag:s13] =	ssyncset.done $0x0  }
0x12d: {  	[sflag:s13] =	ssyncadd.s32 $0xFFFFE000  }
0x12e: {  	v10 =	vld.idx.msk [tilespmem:v2+s8+$0x0], $0xffff  }
0x12f: {  	v4 =	vld.idx.msk [tilespmem:v3+s8+$0x0], $0xffff  }
0x130: {  	v2 =	vld.idx.msk [tilespmem:v6+s8+$0x0], $0xffff  }
0x131: {  	s9 =	simm.s32 $0xA1B0;
	v3 =	vld.idx.msk [tilespmem:v5+s8+$0x0], $0xffff  }
0x132: {  	v6 =	vld [tilespmem:s9+$0x70]  }
0x133: {  	v7 =	vld [tilespmem:s9+$0xFFFFFF80]  }
0x134: {  	v8 =	vld [tilespmem:s9+$0xFFFFFF90]  }
0x135: {  	v9 =	vld [tilespmem:s9+$0xFFFFFFA0]  }
0x136: {  	s23 =	simm.s32 $0x4;
	v12 =	vld [tilespmem:s9+$0xFFFFFFB0]  }
0x137: {  	s28 =	simm.s32 $0x5;
	v11 =	vmov s23;
	v5 =	vld [tilespmem:s9+$0xFFFFFFC0];
	v6 =	vmul.f32 v6, v3  }
0x138: {  	s29 =	simm.s32 $0x6;
	v13 =	vmov s28;
	v11 =	vand.u32 $0x7C, v11;
	v14 =	vmul.f32 v7, v10;
	v7 =	vld [tilespmem:s9+$0xFFFFFFD0]  }
0x139: {  	v15 =	vor.u32 v1, v11;
	v11 =	vmov s29;
	v62 =	vmul.f32 v8, v10;
	v8 =	vld [tilespmem:s9+$0xFFFFFFE0];
	[tilespmem:s9+$0x70] =	vst v6  }
0x13a: {  	v63 =	vand.u32 $0x7D, v13;
	v13 =	vand.u32 $0x7E, v11;
	v11 =	vmul.f32 v9, v10;
	v9 =	vld [tilespmem:s9+$0xFFFFFFF0];
	[tilespmem:s9+$0xFFFFFF80] =	vst v14  }
0x13b: {  	s6 =	simm.s32 $0x7;
	s5 =	simm.s32 $0x8;
	s1 =	simm.s32 $0xA1B0;
	v12 =	vmul.f32 v12, v10;
	v10 =	vld [tilespmem:s9+$0x0];
	v6 =	vbroadcast v15, $0x0;
	v14 =	vor.u32 v1, v63;
	[tilespmem:s9+$0xFFFFFF90] =	vst v62  }
.LBB2_12:
0x13c: {  	p2 =	slt.u32 s5, $0x7C;
	v13 =	vor.u32 v1, v13;
	v15 =	vmov s6;
	[tilespmem:s9+$0xFFFFFFA0] =	vst v11;
	v5 =	vmul.f32 v5, v4;
	v11 =	vld [tilespmem:s9+$0x10]  }
0x13d: {  	v14 =	vbroadcast v14, $0x0;
	v15 =	vand.u32 $0x7F, v15;
	[tilespmem:s9+$0xFFFFFFB0] =	vst v12;
	v7 =	vmul.f32 v7, v4;
	v12 =	vld [tilespmem:s9+$0x20]  }
0x13e: {  	v13 =	vbroadcast v13, $0x0;
	v15 =	vor.u32 v1, v15;
	[tilespmem:s9+$0xFFFFFFC0] =	vst v5;
	v5 =	vmul.f32 v8, v4;
	v8 =	vld [tilespmem:s9+$0x30]  }
0x13f: {  	v15 =	vbroadcast v15, $0x0;
	[tilespmem:s9+$0xFFFFFFD0] =	vst v7;
	v4 =	vmul.f32 v9, v4;
	v7 =	vld [tilespmem:s9+$0x40]  }
0x140: {  	[tilespmem:s9+$0xFFFFFFE0] =	vst v5;
	v5 =	vmul.f32 v10, v2;
	v9 =	vld [tilespmem:s9+$0x50]  }
0x141: {  	[tilespmem:s9+$0xFFFFFFF0] =	vst v4;
	v10 =	vmul.f32 v11, v2;
	v11 =	vld [tilespmem:s9+$0x60]  }
0x142: {  	v16 =	vld.idx.msk [tilespmem:v6+s8+$0x0], $0xffff;
	[tilespmem:s9+$0x0] =	vst v5;
	v5 =	vmul.f32 v12, v2  }
0x143: {  	v4 =	vld.idx.msk [tilespmem:v14+s8+$0x0], $0xffff;
	[tilespmem:s9+$0x10] =	vst v10;
	v6 =	vmul.f32 v8, v2  }
0x144: {  	v2 =	vld.idx.msk [tilespmem:v13+s8+$0x0], $0xffff;
	[tilespmem:s9+$0x20] =	vst v5;
	v5 =	vmul.f32 v7, v3  }
0x145: {  	s9 =	sadd.s32 $0x100, s9;
	v7 =	vld.idx.msk [tilespmem:v15+s8+$0x0], $0xffff;
	[tilespmem:s1+$0x30] =	vst v6;
	v6 =	vmul.f32 v9, v3  }
0x146: {  	v8 =	vld [tilespmem:s9+$0x70];
	[tilespmem:s1+$0x40] =	vst v5;
	v3 =	vmul.f32 v11, v3  }
0x147: {  	v9 =	vld [tilespmem:s9+$0xFFFFFF80];
	[tilespmem:s1+$0x50] =	vst v6  }
0x148: {  	v6 =	vld [tilespmem:s9+$0xFFFFFF90];
	[tilespmem:s1+$0x60] =	vst v3;
	s1 =	smov.u32 s9  }
0x149: {  	v10 =	vld [tilespmem:s9+$0xFFFFFFA0]  }
0x14a: {  	v12 =	vld [tilespmem:s9+$0xFFFFFFB0]  }
.Ltmp8:
0x14b: {  	s0 =	sadd.s32 $0x1, s5;
	v11 =	vmov s5;
	v3 =	vmov v7;
	v5 =	vld [tilespmem:s9+$0xFFFFFFC0];
	v13 =	vmul.f32 v8, v7;
	(pc) =	sbr.rel @p2 .LBB2_12-.Ltmp8, $4  }
0x14c: {  	v8 =	vand.u32 $0x7C, v11;
	v11 =	vmov s0;
	s0 =	sadd.s32 $0x2, s5;
	v9 =	vmul.f32 v9, v16;
	v7 =	vld [tilespmem:s9+$0xFFFFFFD0]  }
0x14d: {  	v14 =	vor.u32 v1, v8;
	v15 =	vmov s0;
	v17 =	vmul.f32 v6, v16;
	v8 =	vld [tilespmem:s9+$0xFFFFFFE0];
	[tilespmem:s9+$0x70] =	vst v13  }
0x14e: {  	v18 =	vand.u32 $0x7D, v11;
	v13 =	vand.u32 $0x7E, v15;
	[tilespmem:s9+$0xFFFFFF80] =	vst v9;
	v11 =	vmul.f32 v10, v16;
	v9 =	vld [tilespmem:s9+$0xFFFFFFF0]  }
0x14f: {  	s6 =	sadd.s32 $0x3, s5;
	s5 =	sadd.s32 $0x4, s5;
	v6 =	vbroadcast v14, $0x0;
	v14 =	vor.u32 v1, v18;
	[tilespmem:s9+$0xFFFFFF90] =	vst v17;
	v12 =	vmul.f32 v12, v16;
	v10 =	vld [tilespmem:s9+$0x0]  }
0x150: {  	v16 =	vld [tilespmem:s9+$0x10]  }
0x151: {  	v17 =	vld [tilespmem:s9+$0x20]  }
0x152: {  	v38 =	vld [tilespmem:s9+$0x30]  }
0x153: {  	v18 =	vld [tilespmem:s9+$0x40]  }
0x154: {  	[tilespmem:s9+$0xFFFFFFA0] =	vst v11;
	v5 =	vmul.f32 v5, v4;
	v39 =	vld [tilespmem:s9+$0x50]  }
0x155: {  	v40 =	vld [tilespmem:s9+$0x60];
	[tilespmem:s9+$0xFFFFFFB0] =	vst v12;
	v7 =	vmul.f32 v7, v4  }
0x156: {  	s0 =	sadd.s32 $0x100, s9;
	v6 =	vld.idx.msk [tilespmem:v6+s8+$0x0], $0xffff;
	[tilespmem:s9+$0xFFFFFFC0] =	vst v5;
	v41 =	vmul.f32 v8, v4  }
0x157: {  	v48 =	vld [tilespmem:s0+$0x70];
	[tilespmem:s9+$0xFFFFFFD0] =	vst v7;
	v42 =	vmul.f32 v9, v4  }
0x158: {  	v14 =	vbroadcast v14, $0x0;
	v49 =	vld [tilespmem:s0+$0xFFFFFF80];
	[tilespmem:s9+$0xFFFFFFE0] =	vst v41;
	v44 =	vmul.f32 v10, v2  }
0x159: {  	v15 =	vmov s6;
	v51 =	vld [tilespmem:s0+$0xFFFFFF90];
	[tilespmem:s9+$0xFFFFFFF0] =	vst v42;
	v46 =	vmul.f32 v16, v2  }
0x15a: {  	v15 =	vand.u32 $0x7F, v15;
	v52 =	vld [tilespmem:s0+$0xFFFFFFA0];
	v47 =	vmul.f32 v17, v2;
	[tilespmem:s9+$0x0] =	vst v44  }
0x15b: {  	v13 =	vor.u32 v1, v13;
	v53 =	vld [tilespmem:s0+$0xFFFFFFB0];
	v1 =	vor.u32 v1, v15;
	v2 =	vmul.f32 v38, v2;
	[tilespmem:s9+$0x10] =	vst v46  }
0x15c: {  	v54 =	vld [tilespmem:s0+$0xFFFFFFD0];
	v1 =	vbroadcast v1, $0x0;
	v50 =	vmul.f32 v18, v3;
	[tilespmem:s9+$0x20] =	vst v47  }
0x15d: {  	v13 =	vbroadcast v13, $0x0;
	v55 =	vld [tilespmem:s0+$0xFFFFFFE0];
	[tilespmem:s1+$0x30] =	vst v2;
	v2 =	vmul.f32 v39, v3  }
0x15e: {  	v43 =	vld.idx.msk [tilespmem:v14+s8+$0x0], $0xffff;
	[tilespmem:s1+$0x40] =	vst v50;
	v3 =	vmul.f32 v40, v3  }
0x15f: {  	v10 =	vmul.f32 v51, v6;
	[tilespmem:s1+$0x50] =	vst v2;
	v2 =	vld [tilespmem:s0+$0xFFFFFFC0]  }
0x160: {  	v56 =	vld [tilespmem:s0+$0xFFFFFFF0];
	[tilespmem:s1+$0x60] =	vst v3;
	v3 =	vmul.f32 v49, v6  }
0x161: {  	v57 =	vld [tilespmem:s0+$0x0];
	v5 =	vmul.f32 v53, v6;
	[tilespmem:s0+$0xFFFFFF90] =	vst v10  }
0x162: {  	v1 =	vld.idx.msk [tilespmem:v1+s8+$0x0], $0xffff;
	[tilespmem:s0+$0xFFFFFF80] =	vst v3;
	v3 =	vmul.f32 v52, v6  }
0x163: {  	v45 =	vld.idx.msk [tilespmem:v13+s8+$0x0], $0xffff;
	[tilespmem:s0+$0xFFFFFFB0] =	vst v5;
	v4 =	vmul.f32 v54, v43  }
0x164: {  	[tilespmem:s0+$0xFFFFFFA0] =	vst v3;
	v3 =	vld [tilespmem:s0+$0x10];
	v2 =	vmul.f32 v2, v43  }
0x165: {  	v58 =	vld [tilespmem:s0+$0x20];
	v60 =	vmul.f32 v56, v43;
	[tilespmem:s0+$0xFFFFFFD0] =	vst v4  }
0x166: {  	v59 =	vld [tilespmem:s0+$0x30];
	[tilespmem:s0+$0xFFFFFFC0] =	vst v2;
	v2 =	vmul.f32 v55, v43  }
0x167: {  	v61 =	vld [tilespmem:s0+$0x40];
	[tilespmem:s0+$0xFFFFFFF0] =	vst v60;
	v9 =	vmul.f32 v48, v1  }
0x168: {  	v62 =	vld [tilespmem:s0+$0x50];
	[tilespmem:s0+$0xFFFFFFE0] =	vst v2;
	v2 =	vmul.f32 v57, v45  }
0x169: {  	v63 =	vld [tilespmem:s0+$0x60];
	[tilespmem:s0+$0x70] =	vst v9;
	v3 =	vmul.f32 v3, v45  }
0x16a: {  	[tilespmem:s0+$0x0] =	vst v2;
	v2 =	vmul.f32 v58, v45  }
0x16b: {  	[tilespmem:s0+$0x10] =	vst v3;
	v3 =	vmul.f32 v59, v45  }
0x16c: {  	[tilespmem:s0+$0x20] =	vst v2;
	v2 =	vmul.f32 v61, v1  }
0x16d: {  	[tilespmem:s0+$0x30] =	vst v3;
	v3 =	vmul.f32 v62, v1  }
0x16e: {  	v1 =	vmul.f32 v63, v1;
	[tilespmem:s0+$0x40] =	vst v2  }
0x16f: {  	s28 =	sand.u32 $0x3FFFFF80, s25;
	[tilespmem:s0+$0x50] =	vst v3  }
.Ltmp9:
0x170: {  	s29 =	sadd.s32 $0x7930, s28;
	[tilespmem:s0+$0x60] =	vst v1;
	(pc) =	sbr.rel @p1 .LBB2_15-.Ltmp9, $4  }
0x171: {  	[spmem:s3] =	stream.indirect.scatter.add.f32 [tilespmem:s14], [sflag:$0x3], $0x40, s29, s31, $0xb8;
	[tilespmem:$0x1F9B0] =	vst v63  }
0x172: {  	_ =	swait.ge [sflag:s24], $0x2000  }
0x173: {  	[sflag:s24] =	ssyncset.done $0x0  }
0x174: {  	[sflag:s24] =	ssyncadd.s32 $0xFFFFE000  }
.Ltmp10:
0x175: {  	(pc) =	sbr.rel .LBB2_9-.Ltmp10, $3  }
0x176: {  	_ =	sdelay $0x1  }
0x177: {  	s0 =	sadd.s32 $0x76B0, s22;
	s21 =	sadd.s32 $0x1, s21  }
0x178: {  	[tilespmem:s14], [sflag:$0x2] =	stream.indirect.gather [spmem:s7], $0x40, s0, s31, $0xb8;
	[tilespmem:$0x1F9B0] =	vst v63  }
.LBB2_17:
0x179: {  	_ =	sfence.sel $0x180000  }
0x17a: {  	[bflag:$0x0] =	sbarrier.arrive $0xFFFF  }
0x17b: {  	_ =	strace $0x90000047  }
0x17c: {  	s0 =	stileid.u32;
	[bflag:$0x2] =	sbarrier.arrive $0xFFFF  }
0x17d: {  	p0 =	sne.s32 s0, $0x0;
	s0 =	rddreg [dreg:$0x4]  }
0x17e: {  	s0 =	sadd.s32 @!p0 $0x100000, s0  }
0x17f: {  	[sflag:s0] =	ssyncadd.tile.s32 @!p0 $0x1;
	_ =	shalt  }
.Lfunc_end2:
_tile_overlayer_lowered:
.L_overlay_start_2:
0x180: {  	(tag) =	ssettag $0x2  }
0x181: {  	s0 =	rddreg [dreg:$0x0];
	s2 =	stileid.u32  }
0x182: {  	s1 =	rddreg [dreg:$0x1];
	p0 =	sne.s32 s2, $0x0  }
0x183: {  	s3 =	rddreg [dreg:$0x2];
	[bflag:$0x3] =	sbarrier.arrive $0xFFFF;
	s2 =	simm.s32 @!p0 $0x1C03  }
0x184: {  	[timem:s3], [sflag:s2] =	dma.local @!p0 [hbm:s0], s1  }
0x185: {  	s0 =	simm.s32 @!p0 $0x3  }
0x186: {  	_ =	swait.ge @!p0 [sflag:s0], s1  }
0x187: {  	s1 =	ssub.s32 @!p0 $0x0, s1;
	[sflag:s0] =	ssyncset.done @!p0 $0x0  }
0x188: {  	[sflag:s0] =	ssyncadd.s32 @!p0 s1  }
0x189: {  	[bflag:$0x3] =	sbarrier.arrive $0xFFFF  }
0x18a: {  	_ =	shalt  }

</sc_bundles>
